<compile_context>
chip_gen: v7x
topology: tpu7x:2x2x1
jax: 0.10.2.dev20260603
libtpu: 0.0.44.dev20260713+nightly
codegen_flags: <defaults>
</compile_context>

<pallas_src>
import jax
import jax.numpy as jnp
from jax import lax
from jax.experimental import pallas as pl
from jax.experimental.pallas import tpu as pltpu
from jax.experimental.pallas import tpu_sc as plsc

N = 10000
D = 512
K = 2048

_RB = 128
_NRB = (N + _RB - 1) // _RB
_WINDOWS = [(0, 16), (16, 16), (32, 16), (48, 16), (64, 15)]


def _degrees_body(a_ref, o_ref):
    x = a_ref[...]
    tot = None
    for (c0, nch) in _WINDOWS:
        p = None
        for t in range(nch):
            lo = (c0 + t) * 128
            hi = lo + 128
            if hi <= N:
                c = x[:, lo:hi]
            else:
                c = jnp.concatenate(
                    [x[:, lo:N], jnp.zeros((_RB, hi - N), jnp.float32)], axis=1)
            p = c if p is None else p + c
        t_p = p.T
        acc = t_p[0:8, :]
        for k in range(1, 16):
            acc = acc + t_p[8 * k:8 * k + 8, :]
        acc = acc[0:4, :] + acc[4:8, :]
        acc = acc[0:2, :] + acc[2:4, :]
        acc = acc[0:1, :] + acc[1:2, :]
        tot = acc if tot is None else tot + acc
    o_ref[...] = tot[None]


def _degrees(adjacency):
    out = pl.pallas_call(
        _degrees_body,
        grid=(_NRB,),
        in_specs=[pl.BlockSpec((_RB, N), lambda i: (i, 0))],
        out_specs=pl.BlockSpec((1, 1, _RB), lambda i: (i, 0, 0)),
        out_shape=jax.ShapeDtypeStruct((_NRB, 1, _RB), jnp.float32),
    )(adjacency)
    return out.reshape(_NRB * _RB)[:N]


_NC, _NS, _L = 2, 16, 16
_NW = _NC * _NS
_RPW = K // _NW
_XG = 32


def _gather_body(x_hbm, adj_hbm, idx_hbm, xout_hbm, adjout_hbm, dummy_hbm,
                 idxall_v, myidx_v, rows_v, out_v, xrows_v, sem, sem_st, sem2):
    wid = lax.axis_index("s") * _NC + lax.axis_index("c")
    base = wid * _RPW
    pltpu.async_copy(idx_hbm.at[pl.ds(base, _RPW)], myidx_v, sem2).wait()
    pltpu.async_copy(idx_hbm, idxall_v, sem2).wait()

    def x_step(j, carry):
        pltpu.async_copy(x_hbm.at[myidx_v.at[pl.ds(j * _XG, _XG)]],
                         xrows_v, sem2).wait()
        pltpu.async_copy(xrows_v, xout_hbm.at[pl.ds(base + j * _XG, _XG)],
                         sem2).wait()
        return carry

    lax.fori_loop(0, _RPW // _XG, x_step, 0, unroll=True)

    def _ridx(r):
        iv = plsc.load_gather(myidx_v, [lax.broadcast(r, (_L,))])
        return jnp.max(iv)

    pltpu.async_copy(out_v, dummy_hbm.at[pl.ds(wid * K, K)], sem_st)

    def row_step(r, carry):
        pltpu.async_copy(adj_hbm.at[pl.ds(_ridx(r), 1)], rows_v, sem).wait()
        pltpu.make_async_copy(out_v, dummy_hbm.at[pl.ds(wid * K, K)],
                              sem_st).wait()

        def col_step(c, carry2):
            cidx = idxall_v[pl.ds(c * _L, _L)]
            vals = plsc.load_gather(
                rows_v, [jnp.zeros((_L,), jnp.int32), cidx])
            out_v[pl.ds(c * _L, _L)] = vals
            return carry2

        lax.fori_loop(0, K // _L, col_step, 0, unroll=8)
        pltpu.async_copy(out_v, adjout_hbm.at[pl.ds((base + r) * K, K)],
                         sem_st)
        return carry

    lax.fori_loop(0, _RPW, row_step, 0, unroll=False)
    pltpu.make_async_copy(out_v, dummy_hbm.at[pl.ds(wid * K, K)],
                          sem_st).wait()


def _gather(x, adjacency, idx):
    mesh = plsc.VectorSubcoreMesh(
        core_axis_name="c", subcore_axis_name="s",
        num_cores=_NC, num_subcores=_NS)
    f = pl.kernel(
        _gather_body,
        out_type=(
            jax.ShapeDtypeStruct((K, D), jnp.float32),
            jax.ShapeDtypeStruct((K * K,), jnp.float32),
            jax.ShapeDtypeStruct((_NW * K,), jnp.float32),
        ),
        mesh=mesh,
        compiler_params=pltpu.CompilerParams(needs_layout_passes=False),
        scratch_types=[
            pltpu.VMEM((K,), jnp.int32),
            pltpu.VMEM((_RPW,), jnp.int32),
            pltpu.VMEM((1, N), jnp.float32),
            pltpu.VMEM((K,), jnp.float32),
            pltpu.VMEM((_XG, D), jnp.float32),
            pltpu.SemaphoreType.DMA,
            pltpu.SemaphoreType.DMA,
            pltpu.SemaphoreType.DMA,
        ],
    )
    x_pooled, adj_flat, _ = f(x, adjacency, idx)
    return x_pooled, adj_flat.reshape(K, K)


def kernel(x, adjacency):
    degrees = _degrees(adjacency)
    _, idx = jax.lax.top_k(degrees, K)
    x_pooled, adj_pooled = _gather(x, adjacency, idx)
    return (x_pooled, adj_pooled)

# --- scband reference (transcript-rebuilt; emitter-appended) ---
"""Pipeline reference for scband-graph-pool-65481071407227 (READ-ONLY COPY).

The authoritative reference and input builder live on the scoring server;
editing this copy changes nothing except your own understanding.
"""

import jax, jax.numpy as jnp
import numpy as np

POOL_SIZE = 2048
N = 10000
D = 512

def setup_inputs(seed: int = 0) -> dict:
    key = jax.random.key(seed)
    k1, k2 = jax.random.split(key)
    x = jax.random.normal(k1, (N, D), dtype=jnp.float32)
    adjacency = jax.random.uniform(k2, (N, N), dtype=jnp.float32)
    return {"x": x, "adjacency": adjacency}

def reference(x, adjacency):
    degrees = adjacency.sum(axis=1)
    _, idx = jax.lax.top_k(degrees, POOL_SIZE)
    x_pooled = x[idx]
    adj_pooled = adjacency[idx][:, idx]
    return (x_pooled, adj_pooled)

if __name__ == "__main__":
    import jax
    _d = setup_inputs()
    print(jax.jit(kernel)(*tuple(_d.values())))

</pallas_src>

<mosaic_0001>
#map = affine_map<(d0, d1) -> (0, 0)>
#map1 = affine_map<(d0, d1) -> (0)>
module attributes {stable_mosaic.version = 14 : i64} {
  func.func @_gather_body(%arg0: i32, %arg1: i32, %arg2: memref<10000x512xf32, #tpu.memory_space<hbm>>, %arg3: memref<10000x10000xf32, #tpu.memory_space<hbm>>, %arg4: memref<2048xi32, #tpu.memory_space<hbm>>, %arg5: memref<2048x512xf32, #tpu.memory_space<hbm>>, %arg6: memref<4194304xf32, #tpu.memory_space<hbm>>, %arg7: memref<65536xf32, #tpu.memory_space<hbm>>, %arg8: memref<2048xi32, #tpu.memory_space<vmem>>, %arg9: memref<64xi32, #tpu.memory_space<vmem>>, %arg10: memref<1x10000xf32, #tpu.memory_space<vmem>>, %arg11: memref<2048xf32, #tpu.memory_space<vmem>>, %arg12: memref<32x512xf32, #tpu.memory_space<vmem>>, %arg13: memref<!tpu.dma_semaphore, #tpu.memory_space<semaphore_mem>>, %arg14: memref<!tpu.dma_semaphore, #tpu.memory_space<semaphore_mem>>, %arg15: memref<!tpu.dma_semaphore, #tpu.memory_space<semaphore_mem>>) attributes {dimension_semantics = [#tpu.dimension_semantics<core_parallel>, #tpu.dimension_semantics<subcore_parallel>], iteration_bounds = array<i64: 2, 16>, scalar_prefetch = 0 : i64, scratch_operands = 8 : i64, tpu.core_type = #tpu.core_type<sc_vector_subcore>, window_params = [{transform_indices = #map}, {transform_indices = #map}, {transform_indices = #map1}, {transform_indices = #map}, {transform_indices = #map1}, {transform_indices = #map1}]} {
    %mul3A = arith.constant 2 : i32
    %mul3A_0 = arith.muli %arg1, %mul3A : i32
    %add3A = arith.addi %mul3A_0, %arg0 : i32
    %mul3A_1 = arith.constant 64 : i32
    %mul3A_2 = arith.muli %add3A, %mul3A_1 : i32
    %dma_start3A = tpu.memref_slice %arg4[%mul3A_2] : memref<2048xi32, #tpu.memory_space<hbm>> -> memref<64xi32, #tpu.memory_space<hbm>>
    %dma_start3A_3 = tpu.memref_slice %arg4[%mul3A_2] : memref<2048xi32, #tpu.memory_space<hbm>> -> memref<64xi32, #tpu.memory_space<hbm>>
    tpu.enqueue_dma source(%dma_start3A_3 : memref<64xi32, #tpu.memory_space<hbm>>) target(%arg9 : memref<64xi32, #tpu.memory_space<vmem>>) target_semaphore(%arg15 : memref<!tpu.dma_semaphore, #tpu.memory_space<semaphore_mem>>)
    %dma_wait3A = tpu.memref_slice %arg4[%mul3A_2] : memref<2048xi32, #tpu.memory_space<hbm>> -> memref<64xi32, #tpu.memory_space<hbm>>
    %dma_wait3A_4 = tpu.memref_slice %arg4[%mul3A_2] : memref<2048xi32, #tpu.memory_space<hbm>> -> memref<64xi32, #tpu.memory_space<hbm>>
    tpu.wait_dma2 semaphore(%arg15 : memref<!tpu.dma_semaphore, #tpu.memory_space<semaphore_mem>>) src(%dma_wait3A_4 : memref<64xi32, #tpu.memory_space<hbm>>) dst(%arg9 : memref<64xi32, #tpu.memory_space<vmem>>)
    tpu.enqueue_dma source(%arg4 : memref<2048xi32, #tpu.memory_space<hbm>>) target(%arg8 : memref<2048xi32, #tpu.memory_space<vmem>>) target_semaphore(%arg15 : memref<!tpu.dma_semaphore, #tpu.memory_space<semaphore_mem>>)
    tpu.wait_dma2 semaphore(%arg15 : memref<!tpu.dma_semaphore, #tpu.memory_space<semaphore_mem>>) src(%arg4 : memref<2048xi32, #tpu.memory_space<hbm>>) dst(%arg8 : memref<2048xi32, #tpu.memory_space<vmem>>)
    %scan3A = arith.constant 0 : i32
    %scan3A_5 = arith.constant 0 : i32
    %mul3A_6 = arith.constant 32 : i32
    %mul3A_7 = arith.muli %scan3A_5, %mul3A_6 : i32
    %dma_start3A_8 = tpu.memref_slice %arg9[%mul3A_7] : memref<64xi32, #tpu.memory_space<vmem>> -> memref<32xi32, #tpu.memory_space<vmem>>
    %dma_start3A_9 = arith.constant 0 : i32
    %dma_start3A_10 = arith.constant 0 : i32
    %dma_start3A_11 = tpu.memref_slice %arg2[%dma_start3A_9, %dma_start3A_10] : memref<10000x512xf32, #tpu.memory_space<hbm>> -> memref<10000x512xf32, #tpu.memory_space<hbm>>
    tpu.enqueue_indirect_dma source(%dma_start3A_11 : memref<10000x512xf32, #tpu.memory_space<hbm>>) target(%arg12 : memref<32x512xf32, #tpu.memory_space<vmem>>) offsets(%dma_start3A_8 : memref<32xi32, #tpu.memory_space<vmem>>) semaphore(%arg15 : memref<!tpu.dma_semaphore, #tpu.memory_space<semaphore_mem>>)
    %dma_wait3A_12 = tpu.memref_slice %arg9[%mul3A_7] : memref<64xi32, #tpu.memory_space<vmem>> -> memref<32xi32, #tpu.memory_space<vmem>>
    %dma_wait3A_13 = arith.constant 0 : i32
    %dma_wait3A_14 = arith.constant 0 : i32
    %dma_wait3A_15 = tpu.memref_slice %arg2[%dma_wait3A_13, %dma_wait3A_14] : memref<10000x512xf32, #tpu.memory_space<hbm>> -> memref<10000x512xf32, #tpu.memory_space<hbm>>
    tpu.wait_indirect_dma semaphore(%arg15 : memref<!tpu.dma_semaphore, #tpu.memory_space<semaphore_mem>>) src(%dma_wait3A_15 : memref<10000x512xf32, #tpu.memory_space<hbm>>) dst(%arg12 : memref<32x512xf32, #tpu.memory_space<vmem>>)
    %mul3A_16 = arith.constant 32 : i32
    %mul3A_17 = arith.muli %scan3A_5, %mul3A_16 : i32
    %add3A_18 = arith.addi %mul3A_2, %mul3A_17 : i32
    %dma_start3A_19 = arith.constant 0 : i32
    %dma_start3A_20 = tpu.memref_slice %arg5[%add3A_18, %dma_start3A_19] : memref<2048x512xf32, #tpu.memory_space<hbm>> -> memref<32x512xf32, #tpu.memory_space<hbm>>
    %dma_start3A_21 = arith.constant 0 : i32
    %dma_start3A_22 = tpu.memref_slice %arg5[%add3A_18, %dma_start3A_21] : memref<2048x512xf32, #tpu.memory_space<hbm>> -> memref<32x512xf32, #tpu.memory_space<hbm>>
    tpu.enqueue_dma source(%arg12 : memref<32x512xf32, #tpu.memory_space<vmem>>) target(%dma_start3A_22 : memref<32x512xf32, #tpu.memory_space<hbm>>) target_semaphore(%arg15 : memref<!tpu.dma_semaphore, #tpu.memory_space<semaphore_mem>>)
    %dma_wait3A_23 = arith.constant 0 : i32
    %dma_wait3A_24 = tpu.memref_slice %arg5[%add3A_18, %dma_wait3A_23] : memref<2048x512xf32, #tpu.memory_space<hbm>> -> memref<32x512xf32, #tpu.memory_space<hbm>>
    %dma_wait3A_25 = arith.constant 0 : i32
    %dma_wait3A_26 = tpu.memref_slice %arg5[%add3A_18, %dma_wait3A_25] : memref<2048x512xf32, #tpu.memory_space<hbm>> -> memref<32x512xf32, #tpu.memory_space<hbm>>
    tpu.wait_dma2 semaphore(%arg15 : memref<!tpu.dma_semaphore, #tpu.memory_space<semaphore_mem>>) src(%arg12 : memref<32x512xf32, #tpu.memory_space<vmem>>) dst(%dma_wait3A_26 : memref<32x512xf32, #tpu.memory_space<hbm>>)
    %scan3A_27 = arith.constant 1 : i32
    %mul3A_28 = arith.constant 32 : i32
    %mul3A_29 = arith.muli %scan3A_27, %mul3A_28 : i32
    %dma_start3A_30 = tpu.memref_slice %arg9[%mul3A_29] : memref<64xi32, #tpu.memory_space<vmem>> -> memref<32xi32, #tpu.memory_space<vmem>>
    %dma_start3A_31 = arith.constant 0 : i32
    %dma_start3A_32 = arith.constant 0 : i32
    %dma_start3A_33 = tpu.memref_slice %arg2[%dma_start3A_31, %dma_start3A_32] : memref<10000x512xf32, #tpu.memory_space<hbm>> -> memref<10000x512xf32, #tpu.memory_space<hbm>>
    tpu.enqueue_indirect_dma source(%dma_start3A_33 : memref<10000x512xf32, #tpu.memory_space<hbm>>) target(%arg12 : memref<32x512xf32, #tpu.memory_space<vmem>>) offsets(%dma_start3A_30 : memref<32xi32, #tpu.memory_space<vmem>>) semaphore(%arg15 : memref<!tpu.dma_semaphore, #tpu.memory_space<semaphore_mem>>)
    %dma_wait3A_34 = tpu.memref_slice %arg9[%mul3A_29] : memref<64xi32, #tpu.memory_space<vmem>> -> memref<32xi32, #tpu.memory_space<vmem>>
    %dma_wait3A_35 = arith.constant 0 : i32
    %dma_wait3A_36 = arith.constant 0 : i32
    %dma_wait3A_37 = tpu.memref_slice %arg2[%dma_wait3A_35, %dma_wait3A_36] : memref<10000x512xf32, #tpu.memory_space<hbm>> -> memref<10000x512xf32, #tpu.memory_space<hbm>>
    tpu.wait_indirect_dma semaphore(%arg15 : memref<!tpu.dma_semaphore, #tpu.memory_space<semaphore_mem>>) src(%dma_wait3A_37 : memref<10000x512xf32, #tpu.memory_space<hbm>>) dst(%arg12 : memref<32x512xf32, #tpu.memory_space<vmem>>)
    %mul3A_38 = arith.constant 32 : i32
    %mul3A_39 = arith.muli %scan3A_27, %mul3A_38 : i32
    %add3A_40 = arith.addi %mul3A_2, %mul3A_39 : i32
    %dma_start3A_41 = arith.constant 0 : i32
    %dma_start3A_42 = tpu.memref_slice %arg5[%add3A_40, %dma_start3A_41] : memref<2048x512xf32, #tpu.memory_space<hbm>> -> memref<32x512xf32, #tpu.memory_space<hbm>>
    %dma_start3A_43 = arith.constant 0 : i32
    %dma_start3A_44 = tpu.memref_slice %arg5[%add3A_40, %dma_start3A_43] : memref<2048x512xf32, #tpu.memory_space<hbm>> -> memref<32x512xf32, #tpu.memory_space<hbm>>
    tpu.enqueue_dma source(%arg12 : memref<32x512xf32, #tpu.memory_space<vmem>>) target(%dma_start3A_44 : memref<32x512xf32, #tpu.memory_space<hbm>>) target_semaphore(%arg15 : memref<!tpu.dma_semaphore, #tpu.memory_space<semaphore_mem>>)
    %dma_wait3A_45 = arith.constant 0 : i32
    %dma_wait3A_46 = tpu.memref_slice %arg5[%add3A_40, %dma_wait3A_45] : memref<2048x512xf32, #tpu.memory_space<hbm>> -> memref<32x512xf32, #tpu.memory_space<hbm>>
    %dma_wait3A_47 = arith.constant 0 : i32
    %dma_wait3A_48 = tpu.memref_slice %arg5[%add3A_40, %dma_wait3A_47] : memref<2048x512xf32, #tpu.memory_space<hbm>> -> memref<32x512xf32, #tpu.memory_space<hbm>>
    tpu.wait_dma2 semaphore(%arg15 : memref<!tpu.dma_semaphore, #tpu.memory_space<semaphore_mem>>) src(%arg12 : memref<32x512xf32, #tpu.memory_space<vmem>>) dst(%dma_wait3A_48 : memref<32x512xf32, #tpu.memory_space<hbm>>)
    %scan3A_49 = arith.constant 2 : i32
    %mul3A_50 = arith.constant 2048 : i32
    %mul3A_51 = arith.muli %add3A, %mul3A_50 : i32
    %dma_start3A_52 = tpu.memref_slice %arg7[%mul3A_51] : memref<65536xf32, #tpu.memory_space<hbm>> -> memref<2048xf32, #tpu.memory_space<hbm>>
    %dma_start3A_53 = tpu.memref_slice %arg7[%mul3A_51] : memref<65536xf32, #tpu.memory_space<hbm>> -> memref<2048xf32, #tpu.memory_space<hbm>>
    tpu.enqueue_dma source(%arg11 : memref<2048xf32, #tpu.memory_space<vmem>>) target(%dma_start3A_53 : memref<2048xf32, #tpu.memory_space<hbm>>) target_semaphore(%arg14 : memref<!tpu.dma_semaphore, #tpu.memory_space<semaphore_mem>>)
    %scan3A_54 = arith.constant 0 : i32
    %scan3A_55 = arith.constant 0 : i32
    %scan3A_56 = arith.constant 64 : i32
    %scan3A_57 = arith.addi %scan3A_55, %scan3A_56 : i32
    %scan3A_58 = arith.constant 1 : i32
    scf.for %scan3A_64 = %scan3A_55 to %scan3A_57 step %scan3A_58  : i32 {
      %broadcast_in_dim3A = vector.broadcast %scan3A_64 : i32 to vector<16xi32>
      %gather3A = tpu.vector_load_idx %arg9[%broadcast_in_dim3A] : memref<64xi32, #tpu.memory_space<vmem>>[vector<16xi32>], vector<16xi32>,
      %reduce_max3A = arith.constant true
      %reduce_max3A_65 = vector.broadcast %reduce_max3A : i1 to vector<16xi1>
      %reduce_max3A_66 = arith.constant -2147483648 : i32
      %reduce_max3A_67 = vector.broadcast %reduce_max3A_66 : i32 to vector<16xi32>
      %reduce_max3A_68 = arith.xori %gather3A, %reduce_max3A_67 : vector<16xi32>
      %reduce_max3A_69 = tpu.scan <max>, %reduce_max3A_68 masked %reduce_max3A_65 : vector<16xi32>, vector<16xi1> -> vector<16xi32>
      %reduce_max3A_70 = arith.xori %reduce_max3A_69, %reduce_max3A_67 : vector<16xi32>
      %reduce_max3A_71 = vector.extract %reduce_max3A_70[15] : i32 from vector<16xi32>
      %dma_start3A_72 = arith.constant 0 : i32
      %dma_start3A_73 = tpu.memref_slice %arg3[%reduce_max3A_71, %dma_start3A_72] : memref<10000x10000xf32, #tpu.memory_space<hbm>> -> memref<1x10000xf32, #tpu.memory_space<hbm>>
      %dma_start3A_74 = arith.constant 0 : i32
      %dma_start3A_75 = tpu.memref_slice %arg3[%reduce_max3A_71, %dma_start3A_74] : memref<10000x10000xf32, #tpu.memory_space<hbm>> -> memref<1x10000xf32, #tpu.memory_space<hbm>>
      tpu.enqueue_dma source(%dma_start3A_75 : memref<1x10000xf32, #tpu.memory_space<hbm>>) target(%arg10 : memref<1x10000xf32, #tpu.memory_space<vmem>>) target_semaphore(%arg13 : memref<!tpu.dma_semaphore, #tpu.memory_space<semaphore_mem>>)
      %dma_wait3A_76 = arith.constant 0 : i32
      %dma_wait3A_77 = tpu.memref_slice %arg3[%reduce_max3A_71, %dma_wait3A_76] : memref<10000x10000xf32, #tpu.memory_space<hbm>> -> memref<1x10000xf32, #tpu.memory_space<hbm>>
      %dma_wait3A_78 = arith.constant 0 : i32
      %dma_wait3A_79 = tpu.memref_slice %arg3[%reduce_max3A_71, %dma_wait3A_78] : memref<10000x10000xf32, #tpu.memory_space<hbm>> -> memref<1x10000xf32, #tpu.memory_space<hbm>>
      tpu.wait_dma2 semaphore(%arg13 : memref<!tpu.dma_semaphore, #tpu.memory_space<semaphore_mem>>) src(%dma_wait3A_79 : memref<1x10000xf32, #tpu.memory_space<hbm>>) dst(%arg10 : memref<1x10000xf32, #tpu.memory_space<vmem>>)
      %mul3A_80 = arith.constant 2048 : i32
      %mul3A_81 = arith.muli %add3A, %mul3A_80 : i32
      %dma_wait3A_82 = tpu.memref_slice %arg7[%mul3A_81] : memref<65536xf32, #tpu.memory_space<hbm>> -> memref<2048xf32, #tpu.memory_space<hbm>>
      %dma_wait3A_83 = tpu.memref_slice %arg7[%mul3A_81] : memref<65536xf32, #tpu.memory_space<hbm>> -> memref<2048xf32, #tpu.memory_space<hbm>>
      tpu.wait_dma2 semaphore(%arg14 : memref<!tpu.dma_semaphore, #tpu.memory_space<semaphore_mem>>) src(%arg11 : memref<2048xf32, #tpu.memory_space<vmem>>) dst(%dma_wait3A_83 : memref<2048xf32, #tpu.memory_space<hbm>>)
      %scan3A_84 = arith.constant 0 : i32
      %scan3A_85 = arith.constant 0 : i32
      %scan3A_86 = arith.constant 128 : i32
      %scan3A_87 = arith.addi %scan3A_85, %scan3A_86 : i32
      %scan3A_88 = arith.constant 8 : i32
      scf.for %scan3A_95 = %scan3A_85 to %scan3A_87 step %scan3A_88  : i32 {
        %mul3A_96 = arith.constant 16 : i32
        %mul3A_97 = arith.muli %scan3A_95, %mul3A_96 : i32
        %get3A = arith.index_cast %mul3A_97 : i32 to index
        %get3A_98 = tpu.vector_load %arg8[%get3A] {strides = array<i32>} : memref<2048xi32, #tpu.memory_space<vmem>>, vector<16xi32>,
        %broadcast_in_dim3A_99 = arith.constant 0 : i32
        %broadcast_in_dim3A_100 = vector.broadcast %broadcast_in_dim3A_99 : i32 to vector<16xi32>
        %gather3A_101 = tpu.vector_load_idx %arg10[%broadcast_in_dim3A_100, %get3A_98] : memref<1x10000xf32, #tpu.memory_space<vmem>>[vector<16xi32>, vector<16xi32>], vector<16xf32>,
        %mul3A_102 = arith.constant 16 : i32
        %mul3A_103 = arith.muli %scan3A_95, %mul3A_102 : i32
        %swap3A = arith.index_cast %mul3A_103 : i32 to index
        %swap3A_104 = tpu.vector_load %arg11[%swap3A] {strides = array<i32>} : memref<2048xf32, #tpu.memory_space<vmem>>, vector<16xf32>,
        tpu.vector_store %arg11[%swap3A], %gather3A_101 {strides = array<i32>} : memref<2048xf32, #tpu.memory_space<vmem>>, vector<16xf32>,
        %scan3A_105 = arith.constant 1 : i32
        %scan3A_106 = arith.addi %scan3A_95, %scan3A_105 : i32
        %mul3A_107 = arith.constant 16 : i32
        %mul3A_108 = arith.muli %scan3A_106, %mul3A_107 : i32
        %get3A_109 = arith.index_cast %mul3A_108 : i32 to index
        %get3A_110 = tpu.vector_load %arg8[%get3A_109] {strides = array<i32>} : memref<2048xi32, #tpu.memory_space<vmem>>, vector<16xi32>,
        %broadcast_in_dim3A_111 = arith.constant 0 : i32
        %broadcast_in_dim3A_112 = vector.broadcast %broadcast_in_dim3A_111 : i32 to vector<16xi32>
        %gather3A_113 = tpu.vector_load_idx %arg10[%broadcast_in_dim3A_112, %get3A_110] : memref<1x10000xf32, #tpu.memory_space<vmem>>[vector<16xi32>, vector<16xi32>], vector<16xf32>,
        %mul3A_114 = arith.constant 16 : i32
        %mul3A_115 = arith.muli %scan3A_106, %mul3A_114 : i32
        %swap3A_116 = arith.index_cast %mul3A_115 : i32 to index
        %swap3A_117 = tpu.vector_load %arg11[%swap3A_116] {strides = array<i32>} : memref<2048xf32, #tpu.memory_space<vmem>>, vector<16xf32>,
        tpu.vector_store %arg11[%swap3A_116], %gather3A_113 {strides = array<i32>} : memref<2048xf32, #tpu.memory_space<vmem>>, vector<16xf32>,
        %scan3A_118 = arith.constant 2 : i32
        %scan3A_119 = arith.addi %scan3A_95, %scan3A_118 : i32
        %mul3A_120 = arith.constant 16 : i32
        %mul3A_121 = arith.muli %scan3A_119, %mul3A_120 : i32
        %get3A_122 = arith.index_cast %mul3A_121 : i32 to index
        %get3A_123 = tpu.vector_load %arg8[%get3A_122] {strides = array<i32>} : memref<2048xi32, #tpu.memory_space<vmem>>, vector<16xi32>,
        %broadcast_in_dim3A_124 = arith.constant 0 : i32
        %broadcast_in_dim3A_125 = vector.broadcast %broadcast_in_dim3A_124 : i32 to vector<16xi32>
        %gather3A_126 = tpu.vector_load_idx %arg10[%broadcast_in_dim3A_125, %get3A_123] : memref<1x10000xf32, #tpu.memory_space<vmem>>[vector<16xi32>, vector<16xi32>], vector<16xf32>,
        %mul3A_127 = arith.constant 16 : i32
        %mul3A_128 = arith.muli %scan3A_119, %mul3A_127 : i32
        %swap3A_129 = arith.index_cast %mul3A_128 : i32 to index
        %swap3A_130 = tpu.vector_load %arg11[%swap3A_129] {strides = array<i32>} : memref<2048xf32, #tpu.memory_space<vmem>>, vector<16xf32>,
        tpu.vector_store %arg11[%swap3A_129], %gather3A_126 {strides = array<i32>} : memref<2048xf32, #tpu.memory_space<vmem>>, vector<16xf32>,
        %scan3A_131 = arith.constant 3 : i32
        %scan3A_132 = arith.addi %scan3A_95, %scan3A_131 : i32
        %mul3A_133 = arith.constant 16 : i32
        %mul3A_134 = arith.muli %scan3A_132, %mul3A_133 : i32
        %get3A_135 = arith.index_cast %mul3A_134 : i32 to index
        %get3A_136 = tpu.vector_load %arg8[%get3A_135] {strides = array<i32>} : memref<2048xi32, #tpu.memory_space<vmem>>, vector<16xi32>,
        %broadcast_in_dim3A_137 = arith.constant 0 : i32
        %broadcast_in_dim3A_138 = vector.broadcast %broadcast_in_dim3A_137 : i32 to vector<16xi32>
        %gather3A_139 = tpu.vector_load_idx %arg10[%broadcast_in_dim3A_138, %get3A_136] : memref<1x10000xf32, #tpu.memory_space<vmem>>[vector<16xi32>, vector<16xi32>], vector<16xf32>,
        %mul3A_140 = arith.constant 16 : i32
        %mul3A_141 = arith.muli %scan3A_132, %mul3A_140 : i32
        %swap3A_142 = arith.index_cast %mul3A_141 : i32 to index
        %swap3A_143 = tpu.vector_load %arg11[%swap3A_142] {strides = array<i32>} : memref<2048xf32, #tpu.memory_space<vmem>>, vector<16xf32>,
        tpu.vector_store %arg11[%swap3A_142], %gather3A_139 {strides = array<i32>} : memref<2048xf32, #tpu.memory_space<vmem>>, vector<16xf32>,
        %scan3A_144 = arith.constant 4 : i32
        %scan3A_145 = arith.addi %scan3A_95, %scan3A_144 : i32
        %mul3A_146 = arith.constant 16 : i32
        %mul3A_147 = arith.muli %scan3A_145, %mul3A_146 : i32
        %get3A_148 = arith.index_cast %mul3A_147 : i32 to index
        %get3A_149 = tpu.vector_load %arg8[%get3A_148] {strides = array<i32>} : memref<2048xi32, #tpu.memory_space<vmem>>, vector<16xi32>,
        %broadcast_in_dim3A_150 = arith.constant 0 : i32
        %broadcast_in_dim3A_151 = vector.broadcast %broadcast_in_dim3A_150 : i32 to vector<16xi32>
        %gather3A_152 = tpu.vector_load_idx %arg10[%broadcast_in_dim3A_151, %get3A_149] : memref<1x10000xf32, #tpu.memory_space<vmem>>[vector<16xi32>, vector<16xi32>], vector<16xf32>,
        %mul3A_153 = arith.constant 16 : i32
        %mul3A_154 = arith.muli %scan3A_145, %mul3A_153 : i32
        %swap3A_155 = arith.index_cast %mul3A_154 : i32 to index
        %swap3A_156 = tpu.vector_load %arg11[%swap3A_155] {strides = array<i32>} : memref<2048xf32, #tpu.memory_space<vmem>>, vector<16xf32>,
        tpu.vector_store %arg11[%swap3A_155], %gather3A_152 {strides = array<i32>} : memref<2048xf32, #tpu.memory_space<vmem>>, vector<16xf32>,
        %scan3A_157 = arith.constant 5 : i32
        %scan3A_158 = arith.addi %scan3A_95, %scan3A_157 : i32
        %mul3A_159 = arith.constant 16 : i32
        %mul3A_160 = arith.muli %scan3A_158, %mul3A_159 : i32
        %get3A_161 = arith.index_cast %mul3A_160 : i32 to index
        %get3A_162 = tpu.vector_load %arg8[%get3A_161] {strides = array<i32>} : memref<2048xi32, #tpu.memory_space<vmem>>, vector<16xi32>,
        %broadcast_in_dim3A_163 = arith.constant 0 : i32
        %broadcast_in_dim3A_164 = vector.broadcast %broadcast_in_dim3A_163 : i32 to vector<16xi32>
        %gather3A_165 = tpu.vector_load_idx %arg10[%broadcast_in_dim3A_164, %get3A_162] : memref<1x10000xf32, #tpu.memory_space<vmem>>[vector<16xi32>, vector<16xi32>], vector<16xf32>,
        %mul3A_166 = arith.constant 16 : i32
        %mul3A_167 = arith.muli %scan3A_158, %mul3A_166 : i32
        %swap3A_168 = arith.index_cast %mul3A_167 : i32 to index
        %swap3A_169 = tpu.vector_load %arg11[%swap3A_168] {strides = array<i32>} : memref<2048xf32, #tpu.memory_space<vmem>>, vector<16xf32>,
        tpu.vector_store %arg11[%swap3A_168], %gather3A_165 {strides = array<i32>} : memref<2048xf32, #tpu.memory_space<vmem>>, vector<16xf32>,
        %scan3A_170 = arith.constant 6 : i32
        %scan3A_171 = arith.addi %scan3A_95, %scan3A_170 : i32
        %mul3A_172 = arith.constant 16 : i32
        %mul3A_173 = arith.muli %scan3A_171, %mul3A_172 : i32
        %get3A_174 = arith.index_cast %mul3A_173 : i32 to index
        %get3A_175 = tpu.vector_load %arg8[%get3A_174] {strides = array<i32>} : memref<2048xi32, #tpu.memory_space<vmem>>, vector<16xi32>,
        %broadcast_in_dim3A_176 = arith.constant 0 : i32
        %broadcast_in_dim3A_177 = vector.broadcast %broadcast_in_dim3A_176 : i32 to vector<16xi32>
        %gather3A_178 = tpu.vector_load_idx %arg10[%broadcast_in_dim3A_177, %get3A_175] : memref<1x10000xf32, #tpu.memory_space<vmem>>[vector<16xi32>, vector<16xi32>], vector<16xf32>,
        %mul3A_179 = arith.constant 16 : i32
        %mul3A_180 = arith.muli %scan3A_171, %mul3A_179 : i32
        %swap3A_181 = arith.index_cast %mul3A_180 : i32 to index
        %swap3A_182 = tpu.vector_load %arg11[%swap3A_181] {strides = array<i32>} : memref<2048xf32, #tpu.memory_space<vmem>>, vector<16xf32>,
        tpu.vector_store %arg11[%swap3A_181], %gather3A_178 {strides = array<i32>} : memref<2048xf32, #tpu.memory_space<vmem>>, vector<16xf32>,
        %scan3A_183 = arith.constant 7 : i32
        %scan3A_184 = arith.addi %scan3A_95, %scan3A_183 : i32
        %mul3A_185 = arith.constant 16 : i32
        %mul3A_186 = arith.muli %scan3A_184, %mul3A_185 : i32
        %get3A_187 = arith.index_cast %mul3A_186 : i32 to index
        %get3A_188 = tpu.vector_load %arg8[%get3A_187] {strides = array<i32>} : memref<2048xi32, #tpu.memory_space<vmem>>, vector<16xi32>,
        %broadcast_in_dim3A_189 = arith.constant 0 : i32
        %broadcast_in_dim3A_190 = vector.broadcast %broadcast_in_dim3A_189 : i32 to vector<16xi32>
        %gather3A_191 = tpu.vector_load_idx %arg10[%broadcast_in_dim3A_190, %get3A_188] : memref<1x10000xf32, #tpu.memory_space<vmem>>[vector<16xi32>, vector<16xi32>], vector<16xf32>,
        %mul3A_192 = arith.constant 16 : i32
        %mul3A_193 = arith.muli %scan3A_184, %mul3A_192 : i32
        %swap3A_194 = arith.index_cast %mul3A_193 : i32 to index
        %swap3A_195 = tpu.vector_load %arg11[%swap3A_194] {strides = array<i32>} : memref<2048xf32, #tpu.memory_space<vmem>>, vector<16xf32>,
        tpu.vector_store %arg11[%swap3A_194], %gather3A_191 {strides = array<i32>} : memref<2048xf32, #tpu.memory_space<vmem>>, vector<16xf32>,
      }
      %scan3A_89 = arith.constant 128 : i32
      %add3A_90 = arith.addi %mul3A_2, %scan3A_64 : i32
      %mul3A_91 = arith.constant 2048 : i32
      %mul3A_92 = arith.muli %add3A_90, %mul3A_91 : i32
      %dma_start3A_93 = tpu.memref_slice %arg6[%mul3A_92] : memref<4194304xf32, #tpu.memory_space<hbm>> -> memref<2048xf32, #tpu.memory_space<hbm>>
      %dma_start3A_94 = tpu.memref_slice %arg6[%mul3A_92] : memref<4194304xf32, #tpu.memory_space<hbm>> -> memref<2048xf32, #tpu.memory_space<hbm>>
      tpu.enqueue_dma source(%arg11 : memref<2048xf32, #tpu.memory_space<vmem>>) target(%dma_start3A_94 : memref<2048xf32, #tpu.memory_space<hbm>>) target_semaphore(%arg14 : memref<!tpu.dma_semaphore, #tpu.memory_space<semaphore_mem>>)
    }
    %scan3A_59 = arith.constant 64 : i32
    %mul3A_60 = arith.constant 2048 : i32
    %mul3A_61 = arith.muli %add3A, %mul3A_60 : i32
    %dma_wait3A_62 = tpu.memref_slice %arg7[%mul3A_61] : memref<65536xf32, #tpu.memory_space<hbm>> -> memref<2048xf32, #tpu.memory_space<hbm>>
    %dma_wait3A_63 = tpu.memref_slice %arg7[%mul3A_61] : memref<65536xf32, #tpu.memory_space<hbm>> -> memref<2048xf32, #tpu.memory_space<hbm>>
    tpu.wait_dma2 semaphore(%arg14 : memref<!tpu.dma_semaphore, #tpu.memory_space<semaphore_mem>>) src(%arg11 : memref<2048xf32, #tpu.memory_space<vmem>>) dst(%dma_wait3A_63 : memref<2048xf32, #tpu.memory_space<hbm>>)
    return
  }
}

module attributes {stable_mosaic.version = 14 : i64} {
  func.func @_degrees_body(%arg0: i32, %arg1: memref<128x10000xf32, #tpu.memory_space<vmem>>, %arg2: memref<1x1x128xf32, #tpu.memory_space<vmem>>) attributes {dimension_semantics = [#tpu.dimension_semantics<arbitrary>], iteration_bounds = array<i64: 79>, scalar_prefetch = 0 : i64, scratch_operands = 0 : i64, tpu.core_type = #tpu.core_type<tc>, window_params = [{transform_indices = @transform_0, window_bounds = array<i64: 128, 10000>}, {transform_indices = @transform_1, window_bounds = array<i64: 1, 1, 128>}]} {
    %get3A = arith.constant 0 : index
    %get3A_0 = arith.constant 0 : index
    %get3A_1 = vector.load %arg1[%get3A, %get3A_0] : memref<128x10000xf32, #tpu.memory_space<vmem>>, vector<128x10000xf32>
    %slice3A = vector.extract_strided_slice %get3A_1 {offsets = [0, 0], sizes = [128, 128], strides = [1, 1]} : vector<128x10000xf32> to vector<128x128xf32>
    %slice3A_2 = vector.extract_strided_slice %get3A_1 {offsets = [0, 128], sizes = [128, 128], strides = [1, 1]} : vector<128x10000xf32> to vector<128x128xf32>
    %add3A = arith.addf %slice3A, %slice3A_2 : vector<128x128xf32>
    %slice3A_3 = vector.extract_strided_slice %get3A_1 {offsets = [0, 256], sizes = [128, 128], strides = [1, 1]} : vector<128x10000xf32> to vector<128x128xf32>
    %add3A_4 = arith.addf %add3A, %slice3A_3 : vector<128x128xf32>
    %slice3A_5 = vector.extract_strided_slice %get3A_1 {offsets = [0, 384], sizes = [128, 128], strides = [1, 1]} : vector<128x10000xf32> to vector<128x128xf32>
    %add3A_6 = arith.addf %add3A_4, %slice3A_5 : vector<128x128xf32>
    %slice3A_7 = vector.extract_strided_slice %get3A_1 {offsets = [0, 512], sizes = [128, 128], strides = [1, 1]} : vector<128x10000xf32> to vector<128x128xf32>
    %add3A_8 = arith.addf %add3A_6, %slice3A_7 : vector<128x128xf32>
    %slice3A_9 = vector.extract_strided_slice %get3A_1 {offsets = [0, 640], sizes = [128, 128], strides = [1, 1]} : vector<128x10000xf32> to vector<128x128xf32>
    %add3A_10 = arith.addf %add3A_8, %slice3A_9 : vector<128x128xf32>
    %slice3A_11 = vector.extract_strided_slice %get3A_1 {offsets = [0, 768], sizes = [128, 128], strides = [1, 1]} : vector<128x10000xf32> to vector<128x128xf32>
    %add3A_12 = arith.addf %add3A_10, %slice3A_11 : vector<128x128xf32>
    %slice3A_13 = vector.extract_strided_slice %get3A_1 {offsets = [0, 896], sizes = [128, 128], strides = [1, 1]} : vector<128x10000xf32> to vector<128x128xf32>
    %add3A_14 = arith.addf %add3A_12, %slice3A_13 : vector<128x128xf32>
    %slice3A_15 = vector.extract_strided_slice %get3A_1 {offsets = [0, 1024], sizes = [128, 128], strides = [1, 1]} : vector<128x10000xf32> to vector<128x128xf32>
    %add3A_16 = arith.addf %add3A_14, %slice3A_15 : vector<128x128xf32>
    %slice3A_17 = vector.extract_strided_slice %get3A_1 {offsets = [0, 1152], sizes = [128, 128], strides = [1, 1]} : vector<128x10000xf32> to vector<128x128xf32>
    %add3A_18 = arith.addf %add3A_16, %slice3A_17 : vector<128x128xf32>
    %slice3A_19 = vector.extract_strided_slice %get3A_1 {offsets = [0, 1280], sizes = [128, 128], strides = [1, 1]} : vector<128x10000xf32> to vector<128x128xf32>
    %add3A_20 = arith.addf %add3A_18, %slice3A_19 : vector<128x128xf32>
    %slice3A_21 = vector.extract_strided_slice %get3A_1 {offsets = [0, 1408], sizes = [128, 128], strides = [1, 1]} : vector<128x10000xf32> to vector<128x128xf32>
    %add3A_22 = arith.addf %add3A_20, %slice3A_21 : vector<128x128xf32>
    %slice3A_23 = vector.extract_strided_slice %get3A_1 {offsets = [0, 1536], sizes = [128, 128], strides = [1, 1]} : vector<128x10000xf32> to vector<128x128xf32>
    %add3A_24 = arith.addf %add3A_22, %slice3A_23 : vector<128x128xf32>
    %slice3A_25 = vector.extract_strided_slice %get3A_1 {offsets = [0, 1664], sizes = [128, 128], strides = [1, 1]} : vector<128x10000xf32> to vector<128x128xf32>
    %add3A_26 = arith.addf %add3A_24, %slice3A_25 : vector<128x128xf32>
    %slice3A_27 = vector.extract_strided_slice %get3A_1 {offsets = [0, 1792], sizes = [128, 128], strides = [1, 1]} : vector<128x10000xf32> to vector<128x128xf32>
    %add3A_28 = arith.addf %add3A_26, %slice3A_27 : vector<128x128xf32>
    %slice3A_29 = vector.extract_strided_slice %get3A_1 {offsets = [0, 1920], sizes = [128, 128], strides = [1, 1]} : vector<128x10000xf32> to vector<128x128xf32>
    %add3A_30 = arith.addf %add3A_28, %slice3A_29 : vector<128x128xf32>
    %transpose3A = tpu.transpose %add3A_30, [1, 0] : vector<128x128xf32> -> vector<128x128xf32>
    %slice3A_31 = vector.extract_strided_slice %transpose3A {offsets = [0, 0], sizes = [8, 128], strides = [1, 1]} : vector<128x128xf32> to vector<8x128xf32>
    %slice3A_32 = vector.extract_strided_slice %transpose3A {offsets = [8, 0], sizes = [8, 128], strides = [1, 1]} : vector<128x128xf32> to vector<8x128xf32>
    %add3A_33 = arith.addf %slice3A_31, %slice3A_32 : vector<8x128xf32>
    %slice3A_34 = vector.extract_strided_slice %transpose3A {offsets = [16, 0], sizes = [8, 128], strides = [1, 1]} : vector<128x128xf32> to vector<8x128xf32>
    %add3A_35 = arith.addf %add3A_33, %slice3A_34 : vector<8x128xf32>
    %slice3A_36 = vector.extract_strided_slice %transpose3A {offsets = [24, 0], sizes = [8, 128], strides = [1, 1]} : vector<128x128xf32> to vector<8x128xf32>
    %add3A_37 = arith.addf %add3A_35, %slice3A_36 : vector<8x128xf32>
    %slice3A_38 = vector.extract_strided_slice %transpose3A {offsets = [32, 0], sizes = [8, 128], strides = [1, 1]} : vector<128x128xf32> to vector<8x128xf32>
    %add3A_39 = arith.addf %add3A_37, %slice3A_38 : vector<8x128xf32>
    %slice3A_40 = vector.extract_strided_slice %transpose3A {offsets = [40, 0], sizes = [8, 128], strides = [1, 1]} : vector<128x128xf32> to vector<8x128xf32>
    %add3A_41 = arith.addf %add3A_39, %slice3A_40 : vector<8x128xf32>
    %slice3A_42 = vector.extract_strided_slice %transpose3A {offsets = [48, 0], sizes = [8, 128], strides = [1, 1]} : vector<128x128xf32> to vector<8x128xf32>
    %add3A_43 = arith.addf %add3A_41, %slice3A_42 : vector<8x128xf32>
    %slice3A_44 = vector.extract_strided_slice %transpose3A {offsets = [56, 0], sizes = [8, 128], strides = [1, 1]} : vector<128x128xf32> to vector<8x128xf32>
    %add3A_45 = arith.addf %add3A_43, %slice3A_44 : vector<8x128xf32>
    %slice3A_46 = vector.extract_strided_slice %transpose3A {offsets = [64, 0], sizes = [8, 128], strides = [1, 1]} : vector<128x128xf32> to vector<8x128xf32>
    %add3A_47 = arith.addf %add3A_45, %slice3A_46 : vector<8x128xf32>
    %slice3A_48 = vector.extract_strided_slice %transpose3A {offsets = [72, 0], sizes = [8, 128], strides = [1, 1]} : vector<128x128xf32> to vector<8x128xf32>
    %add3A_49 = arith.addf %add3A_47, %slice3A_48 : vector<8x128xf32>
    %slice3A_50 = vector.extract_strided_slice %transpose3A {offsets = [80, 0], sizes = [8, 128], strides = [1, 1]} : vector<128x128xf32> to vector<8x128xf32>
    %add3A_51 = arith.addf %add3A_49, %slice3A_50 : vector<8x128xf32>
    %slice3A_52 = vector.extract_strided_slice %transpose3A {offsets = [88, 0], sizes = [8, 128], strides = [1, 1]} : vector<128x128xf32> to vector<8x128xf32>
    %add3A_53 = arith.addf %add3A_51, %slice3A_52 : vector<8x128xf32>
    %slice3A_54 = vector.extract_strided_slice %transpose3A {offsets = [96, 0], sizes = [8, 128], strides = [1, 1]} : vector<128x128xf32> to vector<8x128xf32>
    %add3A_55 = arith.addf %add3A_53, %slice3A_54 : vector<8x128xf32>
    %slice3A_56 = vector.extract_strided_slice %transpose3A {offsets = [104, 0], sizes = [8, 128], strides = [1, 1]} : vector<128x128xf32> to vector<8x128xf32>
    %add3A_57 = arith.addf %add3A_55, %slice3A_56 : vector<8x128xf32>
    %slice3A_58 = vector.extract_strided_slice %transpose3A {offsets = [112, 0], sizes = [8, 128], strides = [1, 1]} : vector<128x128xf32> to vector<8x128xf32>
    %add3A_59 = arith.addf %add3A_57, %slice3A_58 : vector<8x128xf32>
    %slice3A_60 = vector.extract_strided_slice %transpose3A {offsets = [120, 0], sizes = [8, 128], strides = [1, 1]} : vector<128x128xf32> to vector<8x128xf32>
    %add3A_61 = arith.addf %add3A_59, %slice3A_60 : vector<8x128xf32>
    %slice3A_62 = vector.extract_strided_slice %add3A_61 {offsets = [0, 0], sizes = [4, 128], strides = [1, 1]} : vector<8x128xf32> to vector<4x128xf32>
    %slice3A_63 = vector.extract_strided_slice %add3A_61 {offsets = [4, 0], sizes = [4, 128], strides = [1, 1]} : vector<8x128xf32> to vector<4x128xf32>
    %add3A_64 = arith.addf %slice3A_62, %slice3A_63 : vector<4x128xf32>
    %slice3A_65 = vector.extract_strided_slice %add3A_64 {offsets = [0, 0], sizes = [2, 128], strides = [1, 1]} : vector<4x128xf32> to vector<2x128xf32>
    %slice3A_66 = vector.extract_strided_slice %add3A_64 {offsets = [2, 0], sizes = [2, 128], strides = [1, 1]} : vector<4x128xf32> to vector<2x128xf32>
    %add3A_67 = arith.addf %slice3A_65, %slice3A_66 : vector<2x128xf32>
    %slice3A_68 = vector.extract_strided_slice %add3A_67 {offsets = [0, 0], sizes = [1, 128], strides = [1, 1]} : vector<2x128xf32> to vector<1x128xf32>
    %slice3A_69 = vector.extract_strided_slice %add3A_67 {offsets = [1, 0], sizes = [1, 128], strides = [1, 1]} : vector<2x128xf32> to vector<1x128xf32>
    %add3A_70 = arith.addf %slice3A_68, %slice3A_69 : vector<1x128xf32>
    %slice3A_71 = vector.extract_strided_slice %get3A_1 {offsets = [0, 2048], sizes = [128, 128], strides = [1, 1]} : vector<128x10000xf32> to vector<128x128xf32>
    %slice3A_72 = vector.extract_strided_slice %get3A_1 {offsets = [0, 2176], sizes = [128, 128], strides = [1, 1]} : vector<128x10000xf32> to vector<128x128xf32>
    %add3A_73 = arith.addf %slice3A_71, %slice3A_72 : vector<128x128xf32>
    %slice3A_74 = vector.extract_strided_slice %get3A_1 {offsets = [0, 2304], sizes = [128, 128], strides = [1, 1]} : vector<128x10000xf32> to vector<128x128xf32>
    %add3A_75 = arith.addf %add3A_73, %slice3A_74 : vector<128x128xf32>
    %slice3A_76 = vector.extract_strided_slice %get3A_1 {offsets = [0, 2432], sizes = [128, 128], strides = [1, 1]} : vector<128x10000xf32> to vector<128x128xf32>
    %add3A_77 = arith.addf %add3A_75, %slice3A_76 : vector<128x128xf32>
    %slice3A_78 = vector.extract_strided_slice %get3A_1 {offsets = [0, 2560], sizes = [128, 128], strides = [1, 1]} : vector<128x10000xf32> to vector<128x128xf32>
    %add3A_79 = arith.addf %add3A_77, %slice3A_78 : vector<128x128xf32>
    %slice3A_80 = vector.extract_strided_slice %get3A_1 {offsets = [0, 2688], sizes = [128, 128], strides = [1, 1]} : vector<128x10000xf32> to vector<128x128xf32>
    %add3A_81 = arith.addf %add3A_79, %slice3A_80 : vector<128x128xf32>
    %slice3A_82 = vector.extract_strided_slice %get3A_1 {offsets = [0, 2816], sizes = [128, 128], strides = [1, 1]} : vector<128x10000xf32> to vector<128x128xf32>
    %add3A_83 = arith.addf %add3A_81, %slice3A_82 : vector<128x128xf32>
    %slice3A_84 = vector.extract_strided_slice %get3A_1 {offsets = [0, 2944], sizes = [128, 128], strides = [1, 1]} : vector<128x10000xf32> to vector<128x128xf32>
    %add3A_85 = arith.addf %add3A_83, %slice3A_84 : vector<128x128xf32>
    %slice3A_86 = vector.extract_strided_slice %get3A_1 {offsets = [0, 3072], sizes = [128, 128], strides = [1, 1]} : vector<128x10000xf32> to vector<128x128xf32>
    %add3A_87 = arith.addf %add3A_85, %slice3A_86 : vector<128x128xf32>
    %slice3A_88 = vector.extract_strided_slice %get3A_1 {offsets = [0, 3200], sizes = [128, 128], strides = [1, 1]} : vector<128x10000xf32> to vector<128x128xf32>
    %add3A_89 = arith.addf %add3A_87, %slice3A_88 : vector<128x128xf32>
    %slice3A_90 = vector.extract_strided_slice %get3A_1 {offsets = [0, 3328], sizes = [128, 128], strides = [1, 1]} : vector<128x10000xf32> to vector<128x128xf32>
    %add3A_91 = arith.addf %add3A_89, %slice3A_90 : vector<128x128xf32>
    %slice3A_92 = vector.extract_strided_slice %get3A_1 {offsets = [0, 3456], sizes = [128, 128], strides = [1, 1]} : vector<128x10000xf32> to vector<128x128xf32>
    %add3A_93 = arith.addf %add3A_91, %slice3A_92 : vector<128x128xf32>
    %slice3A_94 = vector.extract_strided_slice %get3A_1 {offsets = [0, 3584], sizes = [128, 128], strides = [1, 1]} : vector<128x10000xf32> to vector<128x128xf32>
    %add3A_95 = arith.addf %add3A_93, %slice3A_94 : vector<128x128xf32>
    %slice3A_96 = vector.extract_strided_slice %get3A_1 {offsets = [0, 3712], sizes = [128, 128], strides = [1, 1]} : vector<128x10000xf32> to vector<128x128xf32>
    %add3A_97 = arith.addf %add3A_95, %slice3A_96 : vector<128x128xf32>
    %slice3A_98 = vector.extract_strided_slice %get3A_1 {offsets = [0, 3840], sizes = [128, 128], strides = [1, 1]} : vector<128x10000xf32> to vector<128x128xf32>
    %add3A_99 = arith.addf %add3A_97, %slice3A_98 : vector<128x128xf32>
    %slice3A_100 = vector.extract_strided_slice %get3A_1 {offsets = [0, 3968], sizes = [128, 128], strides = [1, 1]} : vector<128x10000xf32> to vector<128x128xf32>
    %add3A_101 = arith.addf %add3A_99, %slice3A_100 : vector<128x128xf32>
    %transpose3A_102 = tpu.transpose %add3A_101, [1, 0] : vector<128x128xf32> -> vector<128x128xf32>
    %slice3A_103 = vector.extract_strided_slice %transpose3A_102 {offsets = [0, 0], sizes = [8, 128], strides = [1, 1]} : vector<128x128xf32> to vector<8x128xf32>
    %slice3A_104 = vector.extract_strided_slice %transpose3A_102 {offsets = [8, 0], sizes = [8, 128], strides = [1, 1]} : vector<128x128xf32> to vector<8x128xf32>
    %add3A_105 = arith.addf %slice3A_103, %slice3A_104 : vector<8x128xf32>
    %slice3A_106 = vector.extract_strided_slice %transpose3A_102 {offsets = [16, 0], sizes = [8, 128], strides = [1, 1]} : vector<128x128xf32> to vector<8x128xf32>
    %add3A_107 = arith.addf %add3A_105, %slice3A_106 : vector<8x128xf32>
    %slice3A_108 = vector.extract_strided_slice %transpose3A_102 {offsets = [24, 0], sizes = [8, 128], strides = [1, 1]} : vector<128x128xf32> to vector<8x128xf32>
    %add3A_109 = arith.addf %add3A_107, %slice3A_108 : vector<8x128xf32>
    %slice3A_110 = vector.extract_strided_slice %transpose3A_102 {offsets = [32, 0], sizes = [8, 128], strides = [1, 1]} : vector<128x128xf32> to vector<8x128xf32>
    %add3A_111 = arith.addf %add3A_109, %slice3A_110 : vector<8x128xf32>
    %slice3A_112 = vector.extract_strided_slice %transpose3A_102 {offsets = [40, 0], sizes = [8, 128], strides = [1, 1]} : vector<128x128xf32> to vector<8x128xf32>
    %add3A_113 = arith.addf %add3A_111, %slice3A_112 : vector<8x128xf32>
    %slice3A_114 = vector.extract_strided_slice %transpose3A_102 {offsets = [48, 0], sizes = [8, 128], strides = [1, 1]} : vector<128x128xf32> to vector<8x128xf32>
    %add3A_115 = arith.addf %add3A_113, %slice3A_114 : vector<8x128xf32>
    %slice3A_116 = vector.extract_strided_slice %transpose3A_102 {offsets = [56, 0], sizes = [8, 128], strides = [1, 1]} : vector<128x128xf32> to vector<8x128xf32>
    %add3A_117 = arith.addf %add3A_115, %slice3A_116 : vector<8x128xf32>
    %slice3A_118 = vector.extract_strided_slice %transpose3A_102 {offsets = [64, 0], sizes = [8, 128], strides = [1, 1]} : vector<128x128xf32> to vector<8x128xf32>
    %add3A_119 = arith.addf %add3A_117, %slice3A_118 : vector<8x128xf32>
    %slice3A_120 = vector.extract_strided_slice %transpose3A_102 {offsets = [72, 0], sizes = [8, 128], strides = [1, 1]} : vector<128x128xf32> to vector<8x128xf32>
    %add3A_121 = arith.addf %add3A_119, %slice3A_120 : vector<8x128xf32>
    %slice3A_122 = vector.extract_strided_slice %transpose3A_102 {offsets = [80, 0], sizes = [8, 128], strides = [1, 1]} : vector<128x128xf32> to vector<8x128xf32>
    %add3A_123 = arith.addf %add3A_121, %slice3A_122 : vector<8x128xf32>
    %slice3A_124 = vector.extract_strided_slice %transpose3A_102 {offsets = [88, 0], sizes = [8, 128], strides = [1, 1]} : vector<128x128xf32> to vector<8x128xf32>
    %add3A_125 = arith.addf %add3A_123, %slice3A_124 : vector<8x128xf32>
    %slice3A_126 = vector.extract_strided_slice %transpose3A_102 {offsets = [96, 0], sizes = [8, 128], strides = [1, 1]} : vector<128x128xf32> to vector<8x128xf32>
    %add3A_127 = arith.addf %add3A_125, %slice3A_126 : vector<8x128xf32>
    %slice3A_128 = vector.extract_strided_slice %transpose3A_102 {offsets = [104, 0], sizes = [8, 128], strides = [1, 1]} : vector<128x128xf32> to vector<8x128xf32>
    %add3A_129 = arith.addf %add3A_127, %slice3A_128 : vector<8x128xf32>
    %slice3A_130 = vector.extract_strided_slice %transpose3A_102 {offsets = [112, 0], sizes = [8, 128], strides = [1, 1]} : vector<128x128xf32> to vector<8x128xf32>
    %add3A_131 = arith.addf %add3A_129, %slice3A_130 : vector<8x128xf32>
    %slice3A_132 = vector.extract_strided_slice %transpose3A_102 {offsets = [120, 0], sizes = [8, 128], strides = [1, 1]} : vector<128x128xf32> to vector<8x128xf32>
    %add3A_133 = arith.addf %add3A_131, %slice3A_132 : vector<8x128xf32>
    %slice3A_134 = vector.extract_strided_slice %add3A_133 {offsets = [0, 0], sizes = [4, 128], strides = [1, 1]} : vector<8x128xf32> to vector<4x128xf32>
    %slice3A_135 = vector.extract_strided_slice %add3A_133 {offsets = [4, 0], sizes = [4, 128], strides = [1, 1]} : vector<8x128xf32> to vector<4x128xf32>
    %add3A_136 = arith.addf %slice3A_134, %slice3A_135 : vector<4x128xf32>
    %slice3A_137 = vector.extract_strided_slice %add3A_136 {offsets = [0, 0], sizes = [2, 128], strides = [1, 1]} : vector<4x128xf32> to vector<2x128xf32>
    %slice3A_138 = vector.extract_strided_slice %add3A_136 {offsets = [2, 0], sizes = [2, 128], strides = [1, 1]} : vector<4x128xf32> to vector<2x128xf32>
    %add3A_139 = arith.addf %slice3A_137, %slice3A_138 : vector<2x128xf32>
    %slice3A_140 = vector.extract_strided_slice %add3A_139 {offsets = [0, 0], sizes = [1, 128], strides = [1, 1]} : vector<2x128xf32> to vector<1x128xf32>
    %slice3A_141 = vector.extract_strided_slice %add3A_139 {offsets = [1, 0], sizes = [1, 128], strides = [1, 1]} : vector<2x128xf32> to vector<1x128xf32>
    %add3A_142 = arith.addf %slice3A_140, %slice3A_141 : vector<1x128xf32>
    %add3A_143 = arith.addf %add3A_70, %add3A_142 : vector<1x128xf32>
    %slice3A_144 = vector.extract_strided_slice %get3A_1 {offsets = [0, 4096], sizes = [128, 128], strides = [1, 1]} : vector<128x10000xf32> to vector<128x128xf32>
    %slice3A_145 = vector.extract_strided_slice %get3A_1 {offsets = [0, 4224], sizes = [128, 128], strides = [1, 1]} : vector<128x10000xf32> to vector<128x128xf32>
    %add3A_146 = arith.addf %slice3A_144, %slice3A_145 : vector<128x128xf32>
    %slice3A_147 = vector.extract_strided_slice %get3A_1 {offsets = [0, 4352], sizes = [128, 128], strides = [1, 1]} : vector<128x10000xf32> to vector<128x128xf32>
    %add3A_148 = arith.addf %add3A_146, %slice3A_147 : vector<128x128xf32>
    %slice3A_149 = vector.extract_strided_slice %get3A_1 {offsets = [0, 4480], sizes = [128, 128], strides = [1, 1]} : vector<128x10000xf32> to vector<128x128xf32>
    %add3A_150 = arith.addf %add3A_148, %slice3A_149 : vector<128x128xf32>
    %slice3A_151 = vector.extract_strided_slice %get3A_1 {offsets = [0, 4608], sizes = [128, 128], strides = [1, 1]} : vector<128x10000xf32> to vector<128x128xf32>
    %add3A_152 = arith.addf %add3A_150, %slice3A_151 : vector<128x128xf32>
    %slice3A_153 = vector.extract_strided_slice %get3A_1 {offsets = [0, 4736], sizes = [128, 128], strides = [1, 1]} : vector<128x10000xf32> to vector<128x128xf32>
    %add3A_154 = arith.addf %add3A_152, %slice3A_153 : vector<128x128xf32>
    %slice3A_155 = vector.extract_strided_slice %get3A_1 {offsets = [0, 4864], sizes = [128, 128], strides = [1, 1]} : vector<128x10000xf32> to vector<128x128xf32>
    %add3A_156 = arith.addf %add3A_154, %slice3A_155 : vector<128x128xf32>
    %slice3A_157 = vector.extract_strided_slice %get3A_1 {offsets = [0, 4992], sizes = [128, 128], strides = [1, 1]} : vector<128x10000xf32> to vector<128x128xf32>
    %add3A_158 = arith.addf %add3A_156, %slice3A_157 : vector<128x128xf32>
    %slice3A_159 = vector.extract_strided_slice %get3A_1 {offsets = [0, 5120], sizes = [128, 128], strides = [1, 1]} : vector<128x10000xf32> to vector<128x128xf32>
    %add3A_160 = arith.addf %add3A_158, %slice3A_159 : vector<128x128xf32>
    %slice3A_161 = vector.extract_strided_slice %get3A_1 {offsets = [0, 5248], sizes = [128, 128], strides = [1, 1]} : vector<128x10000xf32> to vector<128x128xf32>
    %add3A_162 = arith.addf %add3A_160, %slice3A_161 : vector<128x128xf32>
    %slice3A_163 = vector.extract_strided_slice %get3A_1 {offsets = [0, 5376], sizes = [128, 128], strides = [1, 1]} : vector<128x10000xf32> to vector<128x128xf32>
    %add3A_164 = arith.addf %add3A_162, %slice3A_163 : vector<128x128xf32>
    %slice3A_165 = vector.extract_strided_slice %get3A_1 {offsets = [0, 5504], sizes = [128, 128], strides = [1, 1]} : vector<128x10000xf32> to vector<128x128xf32>
    %add3A_166 = arith.addf %add3A_164, %slice3A_165 : vector<128x128xf32>
    %slice3A_167 = vector.extract_strided_slice %get3A_1 {offsets = [0, 5632], sizes = [128, 128], strides = [1, 1]} : vector<128x10000xf32> to vector<128x128xf32>
    %add3A_168 = arith.addf %add3A_166, %slice3A_167 : vector<128x128xf32>
    %slice3A_169 = vector.extract_strided_slice %get3A_1 {offsets = [0, 5760], sizes = [128, 128], strides = [1, 1]} : vector<128x10000xf32> to vector<128x128xf32>
    %add3A_170 = arith.addf %add3A_168, %slice3A_169 : vector<128x128xf32>
    %slice3A_171 = vector.extract_strided_slice %get3A_1 {offsets = [0, 5888], sizes = [128, 128], strides = [1, 1]} : vector<128x10000xf32> to vector<128x128xf32>
    %add3A_172 = arith.addf %add3A_170, %slice3A_171 : vector<128x128xf32>
    %slice3A_173 = vector.extract_strided_slice %get3A_1 {offsets = [0, 6016], sizes = [128, 128], strides = [1, 1]} : vector<128x10000xf32> to vector<128x128xf32>
    %add3A_174 = arith.addf %add3A_172, %slice3A_173 : vector<128x128xf32>
    %transpose3A_175 = tpu.transpose %add3A_174, [1, 0] : vector<128x128xf32> -> vector<128x128xf32>
    %slice3A_176 = vector.extract_strided_slice %transpose3A_175 {offsets = [0, 0], sizes = [8, 128], strides = [1, 1]} : vector<128x128xf32> to vector<8x128xf32>
    %slice3A_177 = vector.extract_strided_slice %transpose3A_175 {offsets = [8, 0], sizes = [8, 128], strides = [1, 1]} : vector<128x128xf32> to vector<8x128xf32>
    %add3A_178 = arith.addf %slice3A_176, %slice3A_177 : vector<8x128xf32>
    %slice3A_179 = vector.extract_strided_slice %transpose3A_175 {offsets = [16, 0], sizes = [8, 128], strides = [1, 1]} : vector<128x128xf32> to vector<8x128xf32>
    %add3A_180 = arith.addf %add3A_178, %slice3A_179 : vector<8x128xf32>
    %slice3A_181 = vector.extract_strided_slice %transpose3A_175 {offsets = [24, 0], sizes = [8, 128], strides = [1, 1]} : vector<128x128xf32> to vector<8x128xf32>
    %add3A_182 = arith.addf %add3A_180, %slice3A_181 : vector<8x128xf32>
    %slice3A_183 = vector.extract_strided_slice %transpose3A_175 {offsets = [32, 0], sizes = [8, 128], strides = [1, 1]} : vector<128x128xf32> to vector<8x128xf32>
    %add3A_184 = arith.addf %add3A_182, %slice3A_183 : vector<8x128xf32>
    %slice3A_185 = vector.extract_strided_slice %transpose3A_175 {offsets = [40, 0], sizes = [8, 128], strides = [1, 1]} : vector<128x128xf32> to vector<8x128xf32>
    %add3A_186 = arith.addf %add3A_184, %slice3A_185 : vector<8x128xf32>
    %slice3A_187 = vector.extract_strided_slice %transpose3A_175 {offsets = [48, 0], sizes = [8, 128], strides = [1, 1]} : vector<128x128xf32> to vector<8x128xf32>
    %add3A_188 = arith.addf %add3A_186, %slice3A_187 : vector<8x128xf32>
    %slice3A_189 = vector.extract_strided_slice %transpose3A_175 {offsets = [56, 0], sizes = [8, 128], strides = [1, 1]} : vector<128x128xf32> to vector<8x128xf32>
    %add3A_190 = arith.addf %add3A_188, %slice3A_189 : vector<8x128xf32>
    %slice3A_191 = vector.extract_strided_slice %transpose3A_175 {offsets = [64, 0], sizes = [8, 128], strides = [1, 1]} : vector<128x128xf32> to vector<8x128xf32>
    %add3A_192 = arith.addf %add3A_190, %slice3A_191 : vector<8x128xf32>
    %slice3A_193 = vector.extract_strided_slice %transpose3A_175 {offsets = [72, 0], sizes = [8, 128], strides = [1, 1]} : vector<128x128xf32> to vector<8x128xf32>
    %add3A_194 = arith.addf %add3A_192, %slice3A_193 : vector<8x128xf32>
    %slice3A_195 = vector.extract_strided_slice %transpose3A_175 {offsets = [80, 0], sizes = [8, 128], strides = [1, 1]} : vector<128x128xf32> to vector<8x128xf32>
    %add3A_196 = arith.addf %add3A_194, %slice3A_195 : vector<8x128xf32>
    %slice3A_197 = vector.extract_strided_slice %transpose3A_175 {offsets = [88, 0], sizes = [8, 128], strides = [1, 1]} : vector<128x128xf32> to vector<8x128xf32>
    %add3A_198 = arith.addf %add3A_196, %slice3A_197 : vector<8x128xf32>
    %slice3A_199 = vector.extract_strided_slice %transpose3A_175 {offsets = [96, 0], sizes = [8, 128], strides = [1, 1]} : vector<128x128xf32> to vector<8x128xf32>
    %add3A_200 = arith.addf %add3A_198, %slice3A_199 : vector<8x128xf32>
    %slice3A_201 = vector.extract_strided_slice %transpose3A_175 {offsets = [104, 0], sizes = [8, 128], strides = [1, 1]} : vector<128x128xf32> to vector<8x128xf32>
    %add3A_202 = arith.addf %add3A_200, %slice3A_201 : vector<8x128xf32>
    %slice3A_203 = vector.extract_strided_slice %transpose3A_175 {offsets = [112, 0], sizes = [8, 128], strides = [1, 1]} : vector<128x128xf32> to vector<8x128xf32>
    %add3A_204 = arith.addf %add3A_202, %slice3A_203 : vector<8x128xf32>
    %slice3A_205 = vector.extract_strided_slice %transpose3A_175 {offsets = [120, 0], sizes = [8, 128], strides = [1, 1]} : vector<128x128xf32> to vector<8x128xf32>
    %add3A_206 = arith.addf %add3A_204, %slice3A_205 : vector<8x128xf32>
    %slice3A_207 = vector.extract_strided_slice %add3A_206 {offsets = [0, 0], sizes = [4, 128], strides = [1, 1]} : vector<8x128xf32> to vector<4x128xf32>
    %slice3A_208 = vector.extract_strided_slice %add3A_206 {offsets = [4, 0], sizes = [4, 128], strides = [1, 1]} : vector<8x128xf32> to vector<4x128xf32>
    %add3A_209 = arith.addf %slice3A_207, %slice3A_208 : vector<4x128xf32>
    %slice3A_210 = vector.extract_strided_slice %add3A_209 {offsets = [0, 0], sizes = [2, 128], strides = [1, 1]} : vector<4x128xf32> to vector<2x128xf32>
    %slice3A_211 = vector.extract_strided_slice %add3A_209 {offsets = [2, 0], sizes = [2, 128], strides = [1, 1]} : vector<4x128xf32> to vector<2x128xf32>
    %add3A_212 = arith.addf %slice3A_210, %slice3A_211 : vector<2x128xf32>
    %slice3A_213 = vector.extract_strided_slice %add3A_212 {offsets = [0, 0], sizes = [1, 128], strides = [1, 1]} : vector<2x128xf32> to vector<1x128xf32>
    %slice3A_214 = vector.extract_strided_slice %add3A_212 {offsets = [1, 0], sizes = [1, 128], strides = [1, 1]} : vector<2x128xf32> to vector<1x128xf32>
    %add3A_215 = arith.addf %slice3A_213, %slice3A_214 : vector<1x128xf32>
    %add3A_216 = arith.addf %add3A_143, %add3A_215 : vector<1x128xf32>
    %slice3A_217 = vector.extract_strided_slice %get3A_1 {offsets = [0, 6144], sizes = [128, 128], strides = [1, 1]} : vector<128x10000xf32> to vector<128x128xf32>
    %slice3A_218 = vector.extract_strided_slice %get3A_1 {offsets = [0, 6272], sizes = [128, 128], strides = [1, 1]} : vector<128x10000xf32> to vector<128x128xf32>
    %add3A_219 = arith.addf %slice3A_217, %slice3A_218 : vector<128x128xf32>
    %slice3A_220 = vector.extract_strided_slice %get3A_1 {offsets = [0, 6400], sizes = [128, 128], strides = [1, 1]} : vector<128x10000xf32> to vector<128x128xf32>
    %add3A_221 = arith.addf %add3A_219, %slice3A_220 : vector<128x128xf32>
    %slice3A_222 = vector.extract_strided_slice %get3A_1 {offsets = [0, 6528], sizes = [128, 128], strides = [1, 1]} : vector<128x10000xf32> to vector<128x128xf32>
    %add3A_223 = arith.addf %add3A_221, %slice3A_222 : vector<128x128xf32>
    %slice3A_224 = vector.extract_strided_slice %get3A_1 {offsets = [0, 6656], sizes = [128, 128], strides = [1, 1]} : vector<128x10000xf32> to vector<128x128xf32>
    %add3A_225 = arith.addf %add3A_223, %slice3A_224 : vector<128x128xf32>
    %slice3A_226 = vector.extract_strided_slice %get3A_1 {offsets = [0, 6784], sizes = [128, 128], strides = [1, 1]} : vector<128x10000xf32> to vector<128x128xf32>
    %add3A_227 = arith.addf %add3A_225, %slice3A_226 : vector<128x128xf32>
    %slice3A_228 = vector.extract_strided_slice %get3A_1 {offsets = [0, 6912], sizes = [128, 128], strides = [1, 1]} : vector<128x10000xf32> to vector<128x128xf32>
    %add3A_229 = arith.addf %add3A_227, %slice3A_228 : vector<128x128xf32>
    %slice3A_230 = vector.extract_strided_slice %get3A_1 {offsets = [0, 7040], sizes = [128, 128], strides = [1, 1]} : vector<128x10000xf32> to vector<128x128xf32>
    %add3A_231 = arith.addf %add3A_229, %slice3A_230 : vector<128x128xf32>
    %slice3A_232 = vector.extract_strided_slice %get3A_1 {offsets = [0, 7168], sizes = [128, 128], strides = [1, 1]} : vector<128x10000xf32> to vector<128x128xf32>
    %add3A_233 = arith.addf %add3A_231, %slice3A_232 : vector<128x128xf32>
    %slice3A_234 = vector.extract_strided_slice %get3A_1 {offsets = [0, 7296], sizes = [128, 128], strides = [1, 1]} : vector<128x10000xf32> to vector<128x128xf32>
    %add3A_235 = arith.addf %add3A_233, %slice3A_234 : vector<128x128xf32>
    %slice3A_236 = vector.extract_strided_slice %get3A_1 {offsets = [0, 7424], sizes = [128, 128], strides = [1, 1]} : vector<128x10000xf32> to vector<128x128xf32>
    %add3A_237 = arith.addf %add3A_235, %slice3A_236 : vector<128x128xf32>
    %slice3A_238 = vector.extract_strided_slice %get3A_1 {offsets = [0, 7552], sizes = [128, 128], strides = [1, 1]} : vector<128x10000xf32> to vector<128x128xf32>
    %add3A_239 = arith.addf %add3A_237, %slice3A_238 : vector<128x128xf32>
    %slice3A_240 = vector.extract_strided_slice %get3A_1 {offsets = [0, 7680], sizes = [128, 128], strides = [1, 1]} : vector<128x10000xf32> to vector<128x128xf32>
    %add3A_241 = arith.addf %add3A_239, %slice3A_240 : vector<128x128xf32>
    %slice3A_242 = vector.extract_strided_slice %get3A_1 {offsets = [0, 7808], sizes = [128, 128], strides = [1, 1]} : vector<128x10000xf32> to vector<128x128xf32>
    %add3A_243 = arith.addf %add3A_241, %slice3A_242 : vector<128x128xf32>
    %slice3A_244 = vector.extract_strided_slice %get3A_1 {offsets = [0, 7936], sizes = [128, 128], strides = [1, 1]} : vector<128x10000xf32> to vector<128x128xf32>
    %add3A_245 = arith.addf %add3A_243, %slice3A_244 : vector<128x128xf32>
    %slice3A_246 = vector.extract_strided_slice %get3A_1 {offsets = [0, 8064], sizes = [128, 128], strides = [1, 1]} : vector<128x10000xf32> to vector<128x128xf32>
    %add3A_247 = arith.addf %add3A_245, %slice3A_246 : vector<128x128xf32>
    %transpose3A_248 = tpu.transpose %add3A_247, [1, 0] : vector<128x128xf32> -> vector<128x128xf32>
    %slice3A_249 = vector.extract_strided_slice %transpose3A_248 {offsets = [0, 0], sizes = [8, 128], strides = [1, 1]} : vector<128x128xf32> to vector<8x128xf32>
    %slice3A_250 = vector.extract_strided_slice %transpose3A_248 {offsets = [8, 0], sizes = [8, 128], strides = [1, 1]} : vector<128x128xf32> to vector<8x128xf32>
    %add3A_251 = arith.addf %slice3A_249, %slice3A_250 : vector<8x128xf32>
    %slice3A_252 = vector.extract_strided_slice %transpose3A_248 {offsets = [16, 0], sizes = [8, 128], strides = [1, 1]} : vector<128x128xf32> to vector<8x128xf32>
    %add3A_253 = arith.addf %add3A_251, %slice3A_252 : vector<8x128xf32>
    %slice3A_254 = vector.extract_strided_slice %transpose3A_248 {offsets = [24, 0], sizes = [8, 128], strides = [1, 1]} : vector<128x128xf32> to vector<8x128xf32>
    %add3A_255 = arith.addf %add3A_253, %slice3A_254 : vector<8x128xf32>
    %slice3A_256 = vector.extract_strided_slice %transpose3A_248 {offsets = [32, 0], sizes = [8, 128], strides = [1, 1]} : vector<128x128xf32> to vector<8x128xf32>
    %add3A_257 = arith.addf %add3A_255, %slice3A_256 : vector<8x128xf32>
    %slice3A_258 = vector.extract_strided_slice %transpose3A_248 {offsets = [40, 0], sizes = [8, 128], strides = [1, 1]} : vector<128x128xf32> to vector<8x128xf32>
    %add3A_259 = arith.addf %add3A_257, %slice3A_258 : vector<8x128xf32>
    %slice3A_260 = vector.extract_strided_slice %transpose3A_248 {offsets = [48, 0], sizes = [8, 128], strides = [1, 1]} : vector<128x128xf32> to vector<8x128xf32>
    %add3A_261 = arith.addf %add3A_259, %slice3A_260 : vector<8x128xf32>
    %slice3A_262 = vector.extract_strided_slice %transpose3A_248 {offsets = [56, 0], sizes = [8, 128], strides = [1, 1]} : vector<128x128xf32> to vector<8x128xf32>
    %add3A_263 = arith.addf %add3A_261, %slice3A_262 : vector<8x128xf32>
    %slice3A_264 = vector.extract_strided_slice %transpose3A_248 {offsets = [64, 0], sizes = [8, 128], strides = [1, 1]} : vector<128x128xf32> to vector<8x128xf32>
    %add3A_265 = arith.addf %add3A_263, %slice3A_264 : vector<8x128xf32>
    %slice3A_266 = vector.extract_strided_slice %transpose3A_248 {offsets = [72, 0], sizes = [8, 128], strides = [1, 1]} : vector<128x128xf32> to vector<8x128xf32>
    %add3A_267 = arith.addf %add3A_265, %slice3A_266 : vector<8x128xf32>
    %slice3A_268 = vector.extract_strided_slice %transpose3A_248 {offsets = [80, 0], sizes = [8, 128], strides = [1, 1]} : vector<128x128xf32> to vector<8x128xf32>
    %add3A_269 = arith.addf %add3A_267, %slice3A_268 : vector<8x128xf32>
    %slice3A_270 = vector.extract_strided_slice %transpose3A_248 {offsets = [88, 0], sizes = [8, 128], strides = [1, 1]} : vector<128x128xf32> to vector<8x128xf32>
    %add3A_271 = arith.addf %add3A_269, %slice3A_270 : vector<8x128xf32>
    %slice3A_272 = vector.extract_strided_slice %transpose3A_248 {offsets = [96, 0], sizes = [8, 128], strides = [1, 1]} : vector<128x128xf32> to vector<8x128xf32>
    %add3A_273 = arith.addf %add3A_271, %slice3A_272 : vector<8x128xf32>
    %slice3A_274 = vector.extract_strided_slice %transpose3A_248 {offsets = [104, 0], sizes = [8, 128], strides = [1, 1]} : vector<128x128xf32> to vector<8x128xf32>
    %add3A_275 = arith.addf %add3A_273, %slice3A_274 : vector<8x128xf32>
    %slice3A_276 = vector.extract_strided_slice %transpose3A_248 {offsets = [112, 0], sizes = [8, 128], strides = [1, 1]} : vector<128x128xf32> to vector<8x128xf32>
    %add3A_277 = arith.addf %add3A_275, %slice3A_276 : vector<8x128xf32>
    %slice3A_278 = vector.extract_strided_slice %transpose3A_248 {offsets = [120, 0], sizes = [8, 128], strides = [1, 1]} : vector<128x128xf32> to vector<8x128xf32>
    %add3A_279 = arith.addf %add3A_277, %slice3A_278 : vector<8x128xf32>
    %slice3A_280 = vector.extract_strided_slice %add3A_279 {offsets = [0, 0], sizes = [4, 128], strides = [1, 1]} : vector<8x128xf32> to vector<4x128xf32>
    %slice3A_281 = vector.extract_strided_slice %add3A_279 {offsets = [4, 0], sizes = [4, 128], strides = [1, 1]} : vector<8x128xf32> to vector<4x128xf32>
    %add3A_282 = arith.addf %slice3A_280, %slice3A_281 : vector<4x128xf32>
    %slice3A_283 = vector.extract_strided_slice %add3A_282 {offsets = [0, 0], sizes = [2, 128], strides = [1, 1]} : vector<4x128xf32> to vector<2x128xf32>
    %slice3A_284 = vector.extract_strided_slice %add3A_282 {offsets = [2, 0], sizes = [2, 128], strides = [1, 1]} : vector<4x128xf32> to vector<2x128xf32>
    %add3A_285 = arith.addf %slice3A_283, %slice3A_284 : vector<2x128xf32>
    %slice3A_286 = vector.extract_strided_slice %add3A_285 {offsets = [0, 0], sizes = [1, 128], strides = [1, 1]} : vector<2x128xf32> to vector<1x128xf32>
    %slice3A_287 = vector.extract_strided_slice %add3A_285 {offsets = [1, 0], sizes = [1, 128], strides = [1, 1]} : vector<2x128xf32> to vector<1x128xf32>
    %add3A_288 = arith.addf %slice3A_286, %slice3A_287 : vector<1x128xf32>
    %add3A_289 = arith.addf %add3A_216, %add3A_288 : vector<1x128xf32>
    %slice3A_290 = vector.extract_strided_slice %get3A_1 {offsets = [0, 8192], sizes = [128, 128], strides = [1, 1]} : vector<128x10000xf32> to vector<128x128xf32>
    %slice3A_291 = vector.extract_strided_slice %get3A_1 {offsets = [0, 8320], sizes = [128, 128], strides = [1, 1]} : vector<128x10000xf32> to vector<128x128xf32>
    %add3A_292 = arith.addf %slice3A_290, %slice3A_291 : vector<128x128xf32>
    %slice3A_293 = vector.extract_strided_slice %get3A_1 {offsets = [0, 8448], sizes = [128, 128], strides = [1, 1]} : vector<128x10000xf32> to vector<128x128xf32>
    %add3A_294 = arith.addf %add3A_292, %slice3A_293 : vector<128x128xf32>
    %slice3A_295 = vector.extract_strided_slice %get3A_1 {offsets = [0, 8576], sizes = [128, 128], strides = [1, 1]} : vector<128x10000xf32> to vector<128x128xf32>
    %add3A_296 = arith.addf %add3A_294, %slice3A_295 : vector<128x128xf32>
    %slice3A_297 = vector.extract_strided_slice %get3A_1 {offsets = [0, 8704], sizes = [128, 128], strides = [1, 1]} : vector<128x10000xf32> to vector<128x128xf32>
    %add3A_298 = arith.addf %add3A_296, %slice3A_297 : vector<128x128xf32>
    %slice3A_299 = vector.extract_strided_slice %get3A_1 {offsets = [0, 8832], sizes = [128, 128], strides = [1, 1]} : vector<128x10000xf32> to vector<128x128xf32>
    %add3A_300 = arith.addf %add3A_298, %slice3A_299 : vector<128x128xf32>
    %slice3A_301 = vector.extract_strided_slice %get3A_1 {offsets = [0, 8960], sizes = [128, 128], strides = [1, 1]} : vector<128x10000xf32> to vector<128x128xf32>
    %add3A_302 = arith.addf %add3A_300, %slice3A_301 : vector<128x128xf32>
    %slice3A_303 = vector.extract_strided_slice %get3A_1 {offsets = [0, 9088], sizes = [128, 128], strides = [1, 1]} : vector<128x10000xf32> to vector<128x128xf32>
    %add3A_304 = arith.addf %add3A_302, %slice3A_303 : vector<128x128xf32>
    %slice3A_305 = vector.extract_strided_slice %get3A_1 {offsets = [0, 9216], sizes = [128, 128], strides = [1, 1]} : vector<128x10000xf32> to vector<128x128xf32>
    %add3A_306 = arith.addf %add3A_304, %slice3A_305 : vector<128x128xf32>
    %slice3A_307 = vector.extract_strided_slice %get3A_1 {offsets = [0, 9344], sizes = [128, 128], strides = [1, 1]} : vector<128x10000xf32> to vector<128x128xf32>
    %add3A_308 = arith.addf %add3A_306, %slice3A_307 : vector<128x128xf32>
    %slice3A_309 = vector.extract_strided_slice %get3A_1 {offsets = [0, 9472], sizes = [128, 128], strides = [1, 1]} : vector<128x10000xf32> to vector<128x128xf32>
    %add3A_310 = arith.addf %add3A_308, %slice3A_309 : vector<128x128xf32>
    %slice3A_311 = vector.extract_strided_slice %get3A_1 {offsets = [0, 9600], sizes = [128, 128], strides = [1, 1]} : vector<128x10000xf32> to vector<128x128xf32>
    %add3A_312 = arith.addf %add3A_310, %slice3A_311 : vector<128x128xf32>
    %slice3A_313 = vector.extract_strided_slice %get3A_1 {offsets = [0, 9728], sizes = [128, 128], strides = [1, 1]} : vector<128x10000xf32> to vector<128x128xf32>
    %add3A_314 = arith.addf %add3A_312, %slice3A_313 : vector<128x128xf32>
    %slice3A_315 = vector.extract_strided_slice %get3A_1 {offsets = [0, 9856], sizes = [128, 128], strides = [1, 1]} : vector<128x10000xf32> to vector<128x128xf32>
    %add3A_316 = arith.addf %add3A_314, %slice3A_315 : vector<128x128xf32>
    %slice3A_317 = vector.extract_strided_slice %get3A_1 {offsets = [0, 9984], sizes = [128, 16], strides = [1, 1]} : vector<128x10000xf32> to vector<128x16xf32>
    %broadcast_in_dim3A = arith.constant 0.000000e+00 : f32
    %broadcast_in_dim3A_318 = vector.broadcast %broadcast_in_dim3A : f32 to vector<128x112xf32>
    %concatenate3A = tpu.concatenate %slice3A_317, %broadcast_in_dim3A_318 in 1 : vector<128x16xf32>, vector<128x112xf32> -> vector<128x128xf32>
    %add3A_319 = arith.addf %add3A_316, %concatenate3A : vector<128x128xf32>
    %transpose3A_320 = tpu.transpose %add3A_319, [1, 0] : vector<128x128xf32> -> vector<128x128xf32>
    %slice3A_321 = vector.extract_strided_slice %transpose3A_320 {offsets = [0, 0], sizes = [8, 128], strides = [1, 1]} : vector<128x128xf32> to vector<8x128xf32>
    %slice3A_322 = vector.extract_strided_slice %transpose3A_320 {offsets = [8, 0], sizes = [8, 128], strides = [1, 1]} : vector<128x128xf32> to vector<8x128xf32>
    %add3A_323 = arith.addf %slice3A_321, %slice3A_322 : vector<8x128xf32>
    %slice3A_324 = vector.extract_strided_slice %transpose3A_320 {offsets = [16, 0], sizes = [8, 128], strides = [1, 1]} : vector<128x128xf32> to vector<8x128xf32>
    %add3A_325 = arith.addf %add3A_323, %slice3A_324 : vector<8x128xf32>
    %slice3A_326 = vector.extract_strided_slice %transpose3A_320 {offsets = [24, 0], sizes = [8, 128], strides = [1, 1]} : vector<128x128xf32> to vector<8x128xf32>
    %add3A_327 = arith.addf %add3A_325, %slice3A_326 : vector<8x128xf32>
    %slice3A_328 = vector.extract_strided_slice %transpose3A_320 {offsets = [32, 0], sizes = [8, 128], strides = [1, 1]} : vector<128x128xf32> to vector<8x128xf32>
    %add3A_329 = arith.addf %add3A_327, %slice3A_328 : vector<8x128xf32>
    %slice3A_330 = vector.extract_strided_slice %transpose3A_320 {offsets = [40, 0], sizes = [8, 128], strides = [1, 1]} : vector<128x128xf32> to vector<8x128xf32>
    %add3A_331 = arith.addf %add3A_329, %slice3A_330 : vector<8x128xf32>
    %slice3A_332 = vector.extract_strided_slice %transpose3A_320 {offsets = [48, 0], sizes = [8, 128], strides = [1, 1]} : vector<128x128xf32> to vector<8x128xf32>
    %add3A_333 = arith.addf %add3A_331, %slice3A_332 : vector<8x128xf32>
    %slice3A_334 = vector.extract_strided_slice %transpose3A_320 {offsets = [56, 0], sizes = [8, 128], strides = [1, 1]} : vector<128x128xf32> to vector<8x128xf32>
    %add3A_335 = arith.addf %add3A_333, %slice3A_334 : vector<8x128xf32>
    %slice3A_336 = vector.extract_strided_slice %transpose3A_320 {offsets = [64, 0], sizes = [8, 128], strides = [1, 1]} : vector<128x128xf32> to vector<8x128xf32>
    %add3A_337 = arith.addf %add3A_335, %slice3A_336 : vector<8x128xf32>
    %slice3A_338 = vector.extract_strided_slice %transpose3A_320 {offsets = [72, 0], sizes = [8, 128], strides = [1, 1]} : vector<128x128xf32> to vector<8x128xf32>
    %add3A_339 = arith.addf %add3A_337, %slice3A_338 : vector<8x128xf32>
    %slice3A_340 = vector.extract_strided_slice %transpose3A_320 {offsets = [80, 0], sizes = [8, 128], strides = [1, 1]} : vector<128x128xf32> to vector<8x128xf32>
    %add3A_341 = arith.addf %add3A_339, %slice3A_340 : vector<8x128xf32>
    %slice3A_342 = vector.extract_strided_slice %transpose3A_320 {offsets = [88, 0], sizes = [8, 128], strides = [1, 1]} : vector<128x128xf32> to vector<8x128xf32>
    %add3A_343 = arith.addf %add3A_341, %slice3A_342 : vector<8x128xf32>
    %slice3A_344 = vector.extract_strided_slice %transpose3A_320 {offsets = [96, 0], sizes = [8, 128], strides = [1, 1]} : vector<128x128xf32> to vector<8x128xf32>
    %add3A_345 = arith.addf %add3A_343, %slice3A_344 : vector<8x128xf32>
    %slice3A_346 = vector.extract_strided_slice %transpose3A_320 {offsets = [104, 0], sizes = [8, 128], strides = [1, 1]} : vector<128x128xf32> to vector<8x128xf32>
    %add3A_347 = arith.addf %add3A_345, %slice3A_346 : vector<8x128xf32>
    %slice3A_348 = vector.extract_strided_slice %transpose3A_320 {offsets = [112, 0], sizes = [8, 128], strides = [1, 1]} : vector<128x128xf32> to vector<8x128xf32>
    %add3A_349 = arith.addf %add3A_347, %slice3A_348 : vector<8x128xf32>
    %slice3A_350 = vector.extract_strided_slice %transpose3A_320 {offsets = [120, 0], sizes = [8, 128], strides = [1, 1]} : vector<128x128xf32> to vector<8x128xf32>
    %add3A_351 = arith.addf %add3A_349, %slice3A_350 : vector<8x128xf32>
    %slice3A_352 = vector.extract_strided_slice %add3A_351 {offsets = [0, 0], sizes = [4, 128], strides = [1, 1]} : vector<8x128xf32> to vector<4x128xf32>
    %slice3A_353 = vector.extract_strided_slice %add3A_351 {offsets = [4, 0], sizes = [4, 128], strides = [1, 1]} : vector<8x128xf32> to vector<4x128xf32>
    %add3A_354 = arith.addf %slice3A_352, %slice3A_353 : vector<4x128xf32>
    %slice3A_355 = vector.extract_strided_slice %add3A_354 {offsets = [0, 0], sizes = [2, 128], strides = [1, 1]} : vector<4x128xf32> to vector<2x128xf32>
    %slice3A_356 = vector.extract_strided_slice %add3A_354 {offsets = [2, 0], sizes = [2, 128], strides = [1, 1]} : vector<4x128xf32> to vector<2x128xf32>
    %add3A_357 = arith.addf %slice3A_355, %slice3A_356 : vector<2x128xf32>
    %slice3A_358 = vector.extract_strided_slice %add3A_357 {offsets = [0, 0], sizes = [1, 128], strides = [1, 1]} : vector<2x128xf32> to vector<1x128xf32>
    %slice3A_359 = vector.extract_strided_slice %add3A_357 {offsets = [1, 0], sizes = [1, 128], strides = [1, 1]} : vector<2x128xf32> to vector<1x128xf32>
    %add3A_360 = arith.addf %slice3A_358, %slice3A_359 : vector<1x128xf32>
    %add3A_361 = arith.addf %add3A_289, %add3A_360 : vector<1x128xf32>
    %broadcast_in_dim3A_362 = vector.shape_cast %add3A_361 : vector<1x128xf32> to vector<1x1x128xf32>
    %swap3A = arith.constant 0 : index
    %swap3A_363 = arith.constant 0 : index
    %swap3A_364 = arith.constant 0 : index
    %swap3A_365 = vector.load %arg2[%swap3A, %swap3A_363, %swap3A_364] : memref<1x1x128xf32, #tpu.memory_space<vmem>>, vector<1x1x128xf32>
    tpu.vector_store %arg2[%swap3A, %swap3A_363, %swap3A_364], %broadcast_in_dim3A_362 {strides = array<i32>} : memref<1x1x128xf32, #tpu.memory_space<vmem>>, vector<1x1x128xf32>,
    return
  }
  func.func @transform_0(%arg0: i32) -> (i32, i32) {
    %c0_i32 = arith.constant 0 : i32
    %c0_i32_0 = arith.constant 0 : i32
    return %arg0, %c0_i32 : i32, i32
  }
  func.func @transform_1(%arg0: i32) -> (i32, i32, i32) {
    %c0_i32 = arith.constant 0 : i32
    %c0_i32_0 = arith.constant 0 : i32
    %c0_i32_1 = arith.constant 0 : i32
    return %arg0, %c0_i32, %c0_i32_0 : i32, i32, i32
  }
}

</mosaic_0001>

<sc_bundles>
// kernel: kernel.4.cloned.1.call-start
scs
__scs_entry_jumppad:
0x0: {  	(pc) =	sbr.rel $0x88, $3  }
0x1: {  	(tag) =	ssettag $0x0;
	lr =	simm.s32 $0x1  }
0x2: {  	[smem:$0x3F9F] =	sst lr;
	_ =	strace $0xD0000000  }
0x3: {  	_ = 	snop  }
0x4: {  	_ = 	snop  }
0x5: {  	_ = 	snop  }
0x6: {  	_ = 	snop  }
0x7: {  	_ = 	snop  }
__scs_overlays_trampoline_lowered:
0x8: {  	[smem:$0x3FAE] =	sst s0  }
0x9: {  	[smem:$0x3FAF] =	sst s1  }
0xa: {  	[smem:$0x3FB0] =	sst s2  }
0xb: {  	[smem:$0x3FB1] =	sst s3  }
0xc: {  	[smem:$0x3FB2] =	sst s4  }
0xd: {  	[smem:$0x3FB3] =	sst s5  }
0xe: {  	[smem:$0x3FB4] =	sst s6  }
0xf: {  	[smem:$0x3FB5] =	sst s7  }
0x10: {  	[smem:$0x3FB6] =	sst s8  }
0x11: {  	[smem:$0x3FB7] =	sst s9;
	s0 =	simm.s32 @!p0 $0x0  }
0x12: {  	s1 =	sld [smem:$0x3F9D];
	s0 =	simm.s32 @p0 $0x1  }
0x13: {  	[smem:$0x3FB8] =	sst s0;
	s0 =	simm.s32 @!p1 $0x0  }
0x14: {  	s2 =	sld [smem:$0x3F9C];
	s0 =	simm.s32 @p1 $0x1  }
0x15: {  	[smem:$0x3FB9] =	sst s0;
	s0 =	simm.s32 @!p2 $0x0  }
0x16: {  	s3 =	sld [smem:$0x3FDB];
	s0 =	simm.s32 @p2 $0x1  }
0x17: {  	s4 =	simm.s32 $0x1BF5;
	[smem:$0x3FBB] =	sst s0  }
0x18: {  	s0 =	sld [smem:$0x3F9E];
	_ =	swait.ge [sflag:s4], $0x0  }
0x19: {  	s7 =	sld [smem:$0x3F9F]  }
0x1a: {  	s8 =	sadd.s32 $0xFFFFE003, lr  }
0x1b: {  	s9 =	sadd.s32 $0xFFFFFEF7, lr;
	s5 =	simm.s32 $0xFFFFFFFF;
	p2 =	slt.u32 s8, $0xFFFFF086  }
0x1c: {  	p1 =	slt.u32 s9, $0xF7A;
	s5 =	simm.s32 @!p2 $0x0  }
0x1d: {  	s5 =	simm.s32 @p1 $0x1;
	p0 =	seq.s32 s7, s2  }
0x1e: {  	s7 =	smul.u32 @!p0 $0xF7A, s2;
	p2 =	seq.s32 @!p0 s5, $0x0  }
0x1f: {  	s9 =	smul.u32 $0xF7A, s1;
	s8 =	simm.s32 @!p0 $0x1BF5;
	p2 =	por !p2, p0  }
0x20: {  	[sflag:s8] =	ssyncset.s32 @!p0 $0xFFFFF086;
	s6 =	sadd.s32 @!p0 s3, s7;
	s7 =	simm.s32 @!p0 $0x108  }
0x21: {  	s3 =	sadd.s32 s3, s9;
	s6 =	sadd.s32 @!p0 $0x88, s6;
	s7 =	simm.s32 @p2 $0x1082  }
0x22: {  	[simem:s7], [sflag:s8] =	dma.local @!p0 [hbm:s6], $0xF7A  }
0x23: {  	s9 =	sor.u32 $0xD0000000, s2;
	s6 =	simm.s32 $0x108;
	_ =	swait.ge @!p0 [sflag:s8], $0x0  }
0x24: {  	s3 =	sadd.s32 $0x88, s3;
	s6 =	simm.s32 @!p1 $0x1082;
	[sflag:s4] =	ssyncset.s32 $0xFFFFF086  }
0x25: {  	[simem:s6], [sflag:s4] =	dma.local [hbm:s3], $0xF7A  }
0x26: {  	[smem:$0x3F9F] =	sst s1;
	(tag) =	ssettag s2;
	_ =	strace s9  }
0x27: {  	s1 =	sld [smem:$0x3FAF]  }
0x28: {  	s2 =	sld [smem:$0x3FB0]  }
0x29: {  	s4 =	sld [smem:$0x3FB2]  }
0x2a: {  	p0 =	seq.s32 s5, $0x0;
	s5 =	sld [smem:$0x3FB3]  }
0x2b: {  	s6 =	sld [smem:$0x3FB4]  }
0x2c: {  	s7 =	sld [smem:$0x3FB5]  }
0x2d: {  	s3 =	simm.s32 $0x108;
	s8 =	sld [smem:$0x3FB6]  }
0x2e: {  	s3 =	simm.s32 @!p0 $0x1082;
	s9 =	sld [smem:$0x3FB7]  }
0x2f: {  	lr =	sadd.s32 s0, s3;
	s0 =	sld [smem:$0x3FAE]  }
0x30: {  	s3 =	sld [smem:$0x3FB1]  }
0x31: {  	[smem:$0x3FBA] =	sst s10  }
0x32: {  	s10 =	sld [smem:$0x3FB8];
	_ =	sdelay $0x3  }
0x33: {  	p0 =	seq.s32 s10, $0x1;
	s10 =	sld [smem:$0x3FBA];
	_ =	sdelay $0x3  }
0x34: {  	[smem:$0x3FBA] =	sst s10  }
0x35: {  	s10 =	sld [smem:$0x3FB9];
	_ =	sdelay $0x3  }
0x36: {  	p1 =	seq.s32 s10, $0x1;
	s10 =	sld [smem:$0x3FBA];
	_ =	sdelay $0x3  }
0x37: {  	[smem:$0x3FBA] =	sst s10  }
0x38: {  	s10 =	sld [smem:$0x3FBB]  }
0x39: {  	_ = 	snop;
	(pc) =	sbr.ind lr, $3  }
0x3a: {  	_ = 	snop  }
0x3b: {  	_ = 	snop  }
0x3c: {  	p2 =	seq.s32 s10, $0x1;
	s10 =	sld [smem:$0x3FBA]  }
0x3d: {  	_ =	shalt  }
0x3e: {  	_ =	shalt  }
0x3f: {  	_ =	shalt  }
0x40: {  	_ =	shalt  }
0x41: {  	_ =	shalt  }
0x42: {  	_ =	shalt  }
0x43: {  	_ =	shalt  }
0x44: {  	_ =	shalt  }
0x45: {  	_ =	shalt  }
0x46: {  	_ =	shalt  }
0x47: {  	_ =	shalt  }
0x48: {  	_ =	shalt  }
0x49: {  	_ =	shalt  }
0x4a: {  	_ =	shalt  }
0x4b: {  	_ =	shalt  }
0x4c: {  	_ =	shalt  }
0x4d: {  	_ =	shalt  }
0x4e: {  	_ =	shalt  }
0x4f: {  	_ =	shalt  }
0x50: {  	_ =	shalt  }
0x51: {  	_ =	shalt  }
0x52: {  	_ =	shalt  }
0x53: {  	_ =	shalt  }
0x54: {  	_ =	shalt  }
0x55: {  	_ =	shalt  }
0x56: {  	_ =	shalt  }
0x57: {  	_ =	shalt  }
0x58: {  	_ =	shalt  }
0x59: {  	_ =	shalt  }
0x5a: {  	_ =	shalt  }
0x5b: {  	_ =	shalt  }
0x5c: {  	_ =	shalt  }
0x5d: {  	_ =	shalt  }
0x5e: {  	_ =	shalt  }
0x5f: {  	_ =	shalt  }
0x60: {  	_ =	shalt  }
0x61: {  	_ =	shalt  }
0x62: {  	_ =	shalt  }
0x63: {  	_ =	shalt  }
0x64: {  	_ =	shalt  }
0x65: {  	_ =	shalt  }
0x66: {  	_ =	shalt  }
0x67: {  	_ =	shalt  }
0x68: {  	_ =	shalt  }
0x69: {  	_ =	shalt  }
0x6a: {  	_ =	shalt  }
0x6b: {  	_ =	shalt  }
0x6c: {  	_ =	shalt  }
0x6d: {  	_ =	shalt  }
0x6e: {  	_ =	shalt  }
0x6f: {  	_ =	shalt  }
0x70: {  	_ =	shalt  }
0x71: {  	_ =	shalt  }
0x72: {  	_ =	shalt  }
0x73: {  	_ =	shalt  }
0x74: {  	_ =	shalt  }
0x75: {  	_ =	shalt  }
0x76: {  	_ =	shalt  }
0x77: {  	_ =	shalt  }
0x78: {  	_ =	shalt  }
0x79: {  	_ =	shalt  }
0x7a: {  	_ =	shalt  }
0x7b: {  	_ =	shalt  }
0x7c: {  	_ =	shalt  }
0x7d: {  	_ =	shalt  }
0x7e: {  	_ =	shalt  }
0x7f: {  	_ =	shalt  }
0x80: {  	_ =	shalt  }
0x81: {  	_ =	shalt  }
0x82: {  	_ =	shalt  }
0x83: {  	_ =	shalt  }
0x84: {  	_ =	shalt  }
0x85: {  	_ =	shalt  }
0x86: {  	_ =	shalt  }
0x87: {  	_ =	shalt  }
.Lfunc_end0:
.L_simem_size_0:
called_computation_lowered:
.L_overlay_start_0:
0x88: {  	s2 =	sld [smem:$0x3FD9]  }
0x89: {  	s3 =	sld [smem:$0x3FFE];
	_ =	sdelay $0x1  }
0x8a: {  	s1 =	srdreg.scid  }
0x8b: {  	s0 =	sand.u32 $0x1, s1  }
0x8c: {  	s14 =	sshll.u32 s0, $0xA;
	s2 =	sadd.s32 s3, s2  }
0x8d: {  	s2 =	sadd.s32 s2, s14  }
0x8e: {  	[smem:$0x3FC6] =	sst s2  }
0x8f: {  	_ = 	snop  }
0x90: {  	s2 =	sld [smem:$0x3FD0];
	_ =	sdelay $0x1  }
0x91: {  	s15 =	sld [smem:$0x3FC9]  }
0x92: {  	s5 =	simm.s32 $0xA;
	s6 =	simm.s32 $0x10;
	s4 =	sld [smem:$0x3FC8]  }
0x93: {  	[smem:s6], [sflag:s5] =	dma.local [hbm:s2], $0x1  }
0x94: {  	_ =	swait.eq [sflag:s5], $0x1  }
0x95: {  	[sflag:s5] =	ssyncset.done $0x0  }
0x96: {  	s16 =	sld [smem:$0x10];
	[sflag:s5] =	ssyncadd.s32 $0xFFFFFFFF  }
0x97: {  	s17 =	sld [smem:$0x11];
	(tm) =	ssettm $0x1  }
0x98: {  	s18 =	sld [smem:$0x3FFB];
	_ =	sdelay $0x3  }
0x99: {  	_ =	strace s18  }
0x9a: {  	s6 =	sld [smem:$0x3FFC];
	_ =	sdelay $0x3  }
0x9b: {  	_ =	strace s6  }
0x9c: {  	s6 =	sld [smem:$0x3FFD];
	_ =	sdelay $0x3  }
0x9d: {  	_ =	strace s6  }
0x9e: {  	_ =	strace $0x8FFFFFFF  }
0x9f: {  	s19 =	sld [smem:$0x3FDB];
	_ =	sdelay $0x1  }
0xa0: {  	s7 =	simm.s32 $_scs_section_size  }
0xa1: {  	s8 =	simm.s32 $_size__tile_overlayer_lowered;
	s9 =	simm.s32 $_tile_overlayer_lowered  }
0xa2: {  	s22 =	simm.s32 $0x1BFF;
	s21 =	sshll.u32 s9, $0x1;
	s6 =	sadd.s32 s7, s19  }
0xa3: {  	s10 =	simm.s32 $0x0;
	s20 =	sshll.u32 s8, $0x1;
	s8 =	sadd.s32 s21, s6  }
0xa4: {  	[timem:s10], [sflag:s22] =	dma.local [hbm:s8], s20  }
0xa5: {  	_ =	swait.ge [sflag:s22], s20  }
0xa6: {  	s7 =	ssub.s32 $0x0, s20;
	[sflag:s22] =	ssyncset.done $0x0  }
0xa7: {  	[sflag:s22] =	ssyncadd.s32 s7;
	_ =	sdelay $0x1  }
0xa8: {  	s23 =	simm.s32 $0x1B8B  }
0xa9: {  	_ =	swait.ge [sflag:s23], $0x1  }
0xaa: {  	[sflag:s23] =	ssyncset.done $0x0  }
0xab: {  	s25 =	simm.s32 $0x1B8E;
	s24 =	sld [smem:$0x3FFE];
	[sflag:s23] =	ssyncadd.s32 $0xFFFFFFFF  }
0xac: {  	s26 =	simm.s32 $execute0_lowered;
	[smem:$0x3FD2] =	sst s25  }
0xad: {  	s8 =	sshll.u32 s26, $0x1;
	_ =	strace $0x80000046;
	[dreg:$0x1] =	wrdreg $0xFFFFFFFF  }
0xae: {  	s28 =	simm.s32 $_size_execute0_lowered;
	s6 =	sadd.s32 s6, s8;
	[dreg:$0x0] =	wrdreg $0x0  }
0xaf: {  	s8 =	sshll.u32 s28, $0x1;
	[dreg:$0x2] =	wrdreg s6  }
0xb0: {  	[dreg:$0x3] =	wrdreg s8  }
0xb1: {  	[dreg:$0x4] =	wrdreg $0xC0  }
0xb2: {  	_ =	task [dreg:s10], $0x5FFFF  }
0xb3: {  	[dreg:$0x1] =	wrdreg $0xFFFFFFFF  }
0xb4: {  	[dreg:$0x0] =	wrdreg $0x60  }
0xb5: {  	[dreg:$0x2] =	wrdreg s15  }
0xb6: {  	[dreg:$0x3] =	wrdreg s4  }
0xb7: {  	[dreg:$0x4] =	wrdreg s24  }
0xb8: {  	[dreg:$0x5] =	wrdreg s16  }
0xb9: {  	[dreg:$0x6] =	wrdreg s17  }
0xba: {  	[dreg:$0x7] =	wrdreg $0x9  }
0xbb: {  	_ =	task.clear_ibuf [dreg:s10], $0x8FFFF;
	_ =	strace $0x90000046  }
0xbc: {  	s29 =	simm.s32 $0x9;
	_ =	strace $0x80000048  }
0xbd: {  	_ =	swait.ge [sflag:s29], $0x1  }
0xbe: {  	[sflag:s29] =	ssyncadd.s32 $0xFFFFFFFF  }
0xbf: {  	_ =	strace $0x90000048  }
0xc0: {  	_ =	sfence  }
0xc1: {  	s30 =	sld [smem:$0x0];
	_ =	sdelay $0x2  }
0xc2: {  	s31 =	sshll.u32 s1, $0xD;
	s1 =	sshrl.u32 s1, $0x2  }
0xc3: {  	s3 =	sand.u32 $0x4000, s31;
	s1 =	sadd.s32 s1, s30  }
0xc4: {  	s0 =	sor.u32 s3, s0;
	s1 =	sshll.u32 s1, $0x11  }
0xc5: {  	s0 =	sor.u32 s1, s0  }
0xc6: {  	s0 =	sadd.s32 $0x8F2B, s0  }
0xc7: {  	[sflag:s0] =	ssyncadd.remote.s32 $0x1  }
0xc8: {  	_ =	sfence.sel $0xFFFF  }
0xc9: {  	[dreg:$0x0] =	wrdreg $0xFFFFFFFF;
	(pc) =	sbr.abs _section_cstart, $3  }
0xca: {  	[dreg:$0x1] =	wrdreg $0xFFFFFFFF  }
0xcb: {  	_ =	task.clear_ibuf [dreg:s10], $0x2FFFF;
	_ =	strace $0x9FFFFFFF  }
0xcc: {  	(tm) =	ssettm $0x7FFFFFFF  }
0xcd: {  	_ =	shalt  }
tec
execute0_lowered:
.L_overlay_start_1:
0x0: {  	(tag) =	ssettag $0x1  }
0x1: {  	s1 =	rddreg [dreg:$0x0]  }
0x2: {  	s2 =	rddreg [dreg:$0x1]  }
0x3: {  	s8 =	rddreg [dreg:$0x2]  }
0x4: {  	s0 =	rddreg [dreg:$0x3]  }
0x5: {  	s3 =	rddreg [dreg:$0x4];
	s4 =	srdreg.scid  }
0x6: {  	s6 =	stileid.u32;
	s5 =	simm.s32 $0x0;
	s13 =	simm.s32 $0x800  }
0x7: {  	s14 =	simm.s32 $0x3;
	s15 =	simm.s32 $0x3800;
	s16 =	simm.s32 $0x4000  }
0x8: {  	s17 =	simm.s32 $0x4800;
	s18 =	simm.s32 $0x5000;
	s19 =	simm.s32 $0x5800  }
0x9: {  	s20 =	simm.s32 $0x6000;
	s21 =	simm.s32 $0x6800;
	s22 =	simm.s32 $0x7000  }
0xa: {  	s23 =	simm.s32 $0x3000;
	s24 =	simm.s32 $0x80;
	s28 =	simm.s32 $0x1  }
0xb: {  	s29 =	simm.s32 $0x2;
	s4 =	sand.u32 $0x1, s4;
	s6 =	sshll.u32 s6, $0x1  }
0xc: {  	s30 =	simm.s32 $0x0;
	[smem:$0x7FF] =	sst s5;
	s9 =	sor.u32 s4, s6  }
0xd: {  	_ =	strace $0x80000047;
	s4 =	ssub.s32 $0x2, s4;
	s6 =	sshll.u32 s9, $0xE  }
0xe: {  	s25 =	sshrl.u32 s4, $0x1;
	s7 =	sshll.u32 s9, $0x3;
	s26 =	sshll.u32 s9, $0xC  }
0xf: {  	s31 =	sshll.u32 s9, $0x8;
	s11 =	sadd.s32 s6, s8;
	s4 =	ssub.s32 s4, s25  }
0x10: {  	v2 =	vlaneseq.u32;
	s6 =	sadd.s32 s8, s7;
	s7 =	sadd.s32 $0x100, s1;
	s8 =	sadd.s32 s0, s26  }
0x11: {  	vm0 =	vmmov $0xffff;
	v1 =	vshrl.u32 v2, $0x3;
	s10 =	sadd.s32 s3, s31;
	s25 =	simm.s32 $0x400;
	s26 =	simm.s32 $0x880  }
0x12: {  	v0 =	vand.u32 $0x7, v2;
	v2 =	vor.u32 $0x8, v2;
	v1 =	vmul.u32 $0x8, v1;
	s9 =	sadd.s32 $0x800, s8;
	s11 =	sadd.s32 $0x200, s11;
	s12 =	smax.u32 s4, $0x1  }
.LBB2_1:
0x13: {  	[tilespmem:s13], [sflag:$0x3] =	stream.linear.gather [hbm4b:s6+s5], $0x40, $0x38;
	[tilespmem:$0x7800] =	vst v63  }
0x14: {  	_ =	swait.ge [sflag:s14], $0x40  }
0x15: {  	[sflag:s14] =	ssyncset.done $0x0  }
0x16: {  	[sflag:s14] =	ssyncadd.s32 $0xFFFFFFC0  }
0x17: {  	s0 =	rddreg [dreg:$0x2]  }
0x18: {  	[tilespmem:s5], [sflag:$0x3] =	stream.linear.gather [hbm4b:s0+s5], $0x800, $0x38;
	[tilespmem:$0x7800] =	vst v63  }
0x19: {  	_ =	swait.ge [sflag:s14], $0x800  }
0x1a: {  	[sflag:s14] =	ssyncset.done $0x0  }
0x1b: {  	[sflag:s14] =	ssyncadd.s32 $0xFFFFF800  }
0x1c: {  	v3 =	vld [tilespmem:$0x800];
	_ =	sdelay $0x4  }
0x1d: {  	v4 =	vshll.u32 v3, $0x2  }
0x1e: {  	v3 =	vand.u32 $0x7, v3;
	v4 =	vand.u32 $0xFFFFFFE0, v4  }
0x1f: {  	v3 =	vor.u32 v3, v4  }
0x20: {  	v4 =	vperm.xlane v3, v0;
	_ =	sdelay $0x1  }
0x21: {  	v4 =	vadd.s32 v1, v4;
	_ =	sdelay $0x1  }
0x22: {  	v3 =	vperm.xlane v3, v2;
	_ =	sdelay $0x1  }
0x23: {  	v3 =	vadd.s32 v1, v3  }
0x24: {  	[tilespmem:s15], [sflag:$0x3] =	stream.indirect_vreg.gather [hbm4b:s1+s5], $0x80, v4, vm0, $0xb8;
	[tilespmem:$0x7800] =	vst v63  }
0x25: {  	_ = 	snop  }
0x26: {  	[tilespmem:s16], [sflag:$0x3] =	stream.indirect_vreg.gather [hbm4b:s7+s5], $0x80, v4, vm0, $0xb8;
	[tilespmem:$0x7800] =	vst v63  }
0x27: {  	_ = 	snop  }
0x28: {  	[tilespmem:s17], [sflag:$0x3] =	stream.indirect_vreg.gather [hbm4b:s1+s5], $0x80, v3, vm0, $0xb8;
	[tilespmem:$0x7800] =	vst v63  }
0x29: {  	_ = 	snop  }
0x2a: {  	[tilespmem:s18], [sflag:$0x3] =	stream.indirect_vreg.gather [hbm4b:s7+s5], $0x80, v3, vm0, $0xb8;
	[tilespmem:$0x7800] =	vst v63  }
0x2b: {  	v3 =	vld [tilespmem:$0x810];
	_ =	sdelay $0x4  }
0x2c: {  	v61 =	vshll.u32 v3, $0x2  }
0x2d: {  	v3 =	vand.u32 $0x7, v3;
	v4 =	vand.u32 $0xFFFFFFE0, v61  }
0x2e: {  	v3 =	vor.u32 v3, v4  }
0x2f: {  	v4 =	vperm.xlane v3, v0;
	_ =	sdelay $0x1  }
0x30: {  	v4 =	vadd.s32 v1, v4;
	_ =	sdelay $0x1  }
0x31: {  	v3 =	vperm.xlane v3, v2;
	_ =	sdelay $0x1  }
0x32: {  	v3 =	vadd.s32 v1, v3  }
0x33: {  	[tilespmem:s19], [sflag:$0x3] =	stream.indirect_vreg.gather [hbm4b:s1+s5], $0x80, v4, vm0, $0xb8;
	[tilespmem:$0x7800] =	vst v63  }
0x34: {  	_ = 	snop  }
0x35: {  	[tilespmem:s20], [sflag:$0x3] =	stream.indirect_vreg.gather [hbm4b:s7+s5], $0x80, v4, vm0, $0xb8;
	[tilespmem:$0x7800] =	vst v63  }
0x36: {  	_ = 	snop  }
0x37: {  	[tilespmem:s21], [sflag:$0x3] =	stream.indirect_vreg.gather [hbm4b:s1+s5], $0x80, v3, vm0, $0xb8;
	[tilespmem:$0x7800] =	vst v63  }
0x38: {  	_ = 	snop  }
0x39: {  	[tilespmem:s22], [sflag:$0x3] =	stream.indirect_vreg.gather [hbm4b:s7+s5], $0x80, v3, vm0, $0xb8;
	[tilespmem:$0x7800] =	vst v63  }
0x3a: {  	_ =	swait.ge [sflag:s14], $0x4000  }
0x3b: {  	[sflag:s14] =	ssyncset.done $0x0  }
0x3c: {  	[sflag:s14] =	ssyncadd.s32 $0xFFFFC000  }
0x3d: {  	[hbm4b:s8+s5] =	stream.linear.scatter [tilespmem:s15], [sflag:$0x3], $0x4000, $0x38;
	[tilespmem:$0x7800] =	vst v63  }
0x3e: {  	_ =	swait.ge [sflag:s14], $0x4000  }
0x3f: {  	[sflag:s14] =	ssyncset.done $0x0  }
0x40: {  	[sflag:s14] =	ssyncadd.s32 $0xFFFFC000  }
0x41: {  	v3 =	vld [tilespmem:$0x820];
	_ =	sdelay $0x4  }
0x42: {  	v62 =	vshll.u32 v3, $0x2  }
0x43: {  	v3 =	vand.u32 $0x7, v3;
	v4 =	vand.u32 $0xFFFFFFE0, v62  }
0x44: {  	v3 =	vor.u32 v3, v4  }
0x45: {  	v4 =	vperm.xlane v3, v0;
	_ =	sdelay $0x1  }
0x46: {  	v4 =	vadd.s32 v1, v4;
	_ =	sdelay $0x1  }
0x47: {  	v3 =	vperm.xlane v3, v2;
	_ =	sdelay $0x1  }
0x48: {  	v3 =	vadd.s32 v1, v3  }
0x49: {  	[tilespmem:s15], [sflag:$0x3] =	stream.indirect_vreg.gather [hbm4b:s1+s5], $0x80, v4, vm0, $0xb8;
	[tilespmem:$0x7800] =	vst v63  }
0x4a: {  	_ = 	snop  }
0x4b: {  	[tilespmem:s16], [sflag:$0x3] =	stream.indirect_vreg.gather [hbm4b:s7+s5], $0x80, v4, vm0, $0xb8;
	[tilespmem:$0x7800] =	vst v63  }
0x4c: {  	_ = 	snop  }
0x4d: {  	[tilespmem:s17], [sflag:$0x3] =	stream.indirect_vreg.gather [hbm4b:s1+s5], $0x80, v3, vm0, $0xb8;
	[tilespmem:$0x7800] =	vst v63  }
0x4e: {  	_ = 	snop  }
0x4f: {  	[tilespmem:s18], [sflag:$0x3] =	stream.indirect_vreg.gather [hbm4b:s7+s5], $0x80, v3, vm0, $0xb8;
	[tilespmem:$0x7800] =	vst v63  }
0x50: {  	v3 =	vld [tilespmem:$0x830];
	_ =	sdelay $0x4  }
0x51: {  	v63 =	vshll.u32 v3, $0x2  }
0x52: {  	v3 =	vand.u32 $0x7, v3;
	v4 =	vand.u32 $0xFFFFFFE0, v63  }
0x53: {  	v3 =	vor.u32 v3, v4  }
0x54: {  	v4 =	vperm.xlane v3, v0;
	_ =	sdelay $0x1  }
0x55: {  	v4 =	vadd.s32 v1, v4;
	_ =	sdelay $0x1  }
0x56: {  	v3 =	vperm.xlane v3, v2;
	_ =	sdelay $0x1  }
0x57: {  	v3 =	vadd.s32 v1, v3  }
0x58: {  	[tilespmem:s19], [sflag:$0x3] =	stream.indirect_vreg.gather [hbm4b:s1+s5], $0x80, v4, vm0, $0xb8;
	[tilespmem:$0x7800] =	vst v63  }
0x59: {  	_ = 	snop  }
0x5a: {  	[tilespmem:s20], [sflag:$0x3] =	stream.indirect_vreg.gather [hbm4b:s7+s5], $0x80, v4, vm0, $0xb8;
	[tilespmem:$0x7800] =	vst v63  }
0x5b: {  	_ = 	snop  }
0x5c: {  	[tilespmem:s21], [sflag:$0x3] =	stream.indirect_vreg.gather [hbm4b:s1+s5], $0x80, v3, vm0, $0xb8;
	[tilespmem:$0x7800] =	vst v63  }
0x5d: {  	_ = 	snop  }
0x5e: {  	[tilespmem:s22], [sflag:$0x3] =	stream.indirect_vreg.gather [hbm4b:s7+s5], $0x80, v3, vm0, $0xb8;
	[tilespmem:$0x7800] =	vst v63  }
0x5f: {  	_ =	swait.ge [sflag:s14], $0x4000  }
0x60: {  	[sflag:s14] =	ssyncset.done $0x0  }
0x61: {  	[sflag:s14] =	ssyncadd.s32 $0xFFFFC000  }
0x62: {  	[hbm4b:s9+s5] =	stream.linear.scatter [tilespmem:s15], [sflag:$0x3], $0x4000, $0x38;
	[tilespmem:$0x7800] =	vst v63  }
0x63: {  	_ =	swait.ge [sflag:s14], $0x4000  }
0x64: {  	[sflag:s14] =	ssyncset.done $0x0  }
0x65: {  	s31 =	simm.s32 $0x0;
	[sflag:s14] =	ssyncadd.s32 $0xFFFFC000  }
0x66: {  	[hbm4b:s10+s5] =	stream.linear.scatter [tilespmem:s23], [sflag:$0x2], $0x800, $0x38;
	[tilespmem:$0x7800] =	vst v63  }
.LBB2_2:
0x67: {  	v3 =	vmov s31;
	_ =	sdelay $0x4  }
0x68: {  	v3 =	vld.idx.msk [tilespmem:v3+s13+$0x0], $0xffff;
	_ =	sdelay $0x4  }
0x69: {  	v3 =	vxor.u32 $0x80000000, v3  }
0x6a: {  	(xrf0) =	vmax.scan.msk.u32 $0xffff, v3;
	_ =	sdelay $0x5  }
0x6b: {  	v3, _, _ =	vpop (xrf0)  }
0x6c: {  	(v2sf) =	vpush v3, $0xF;
	_ =	sdelay $0xe  }
0x6d: {  	s0 =	spop (v2sf)  }
0x6e: {  	s3 =	sshrl.u32 s0, $0x3  }
0x6f: {  	s0 =	sshll.u32 s0, $0x7;
	s3 =	smul.u32 $0x13C00, s3  }
0x70: {  	s0 =	sand.u32 $0x380, s0  }
0x71: {  	s0 =	sor.u32 s0, s3  }
0x72: {  	s0 =	sshrl.u32 s0, $0x3  }
0x73: {  	s0 =	sadd.s32 s2, s0  }
0x74: {  	[tilespmem:s26], [sflag:$0x1] =	stream.strided.gather [hbm4b:s0+s24], $0x2780, s25, s24, $0x38;
	[tilespmem:$0x7800] =	vst v63  }
0x75: {  	_ =	swait.ge [sflag:s28], $0x2780  }
0x76: {  	[sflag:s28] =	ssyncset.done $0x0  }
0x77: {  	[sflag:s28] =	ssyncadd.s32 $0xFFFFD880  }
0x78: {  	_ =	swait.ge [sflag:s29], $0x800  }
0x79: {  	s4 =	simm.s32 $0x40;
	[sflag:s29] =	ssyncset.done $0x0  }
0x7a: {  	s3 =	simm.s32 $0x3040;
	s0 =	simm.s32 $0xFFFFFFF8;
	[sflag:s29] =	ssyncadd.s32 $0xFFFFF800  }
.LBB2_3:
0x7b: {  	v3 =	vld [tilespmem:s4+$0xFFFFFFC0];
	_ =	sdelay $0x7  }
0x7c: {  	v3 =	vld.idx.msk [tilespmem:v3+s26+$0x0], $0xffff;
	_ =	sdelay $0x4  }
0x7d: {  	[tilespmem:s3+$0xFFFFFFC0] =	vst v3  }
0x7e: {  	v3 =	vld [tilespmem:s4+$0xFFFFFFD0];
	_ =	sdelay $0x7  }
0x7f: {  	v3 =	vld.idx.msk [tilespmem:v3+s26+$0x0], $0xffff;
	_ =	sdelay $0x4  }
0x80: {  	[tilespmem:s3+$0xFFFFFFD0] =	vst v3  }
0x81: {  	v3 =	vld [tilespmem:s4+$0xFFFFFFE0];
	_ =	sdelay $0x7  }
0x82: {  	v3 =	vld.idx.msk [tilespmem:v3+s26+$0x0], $0xffff;
	_ =	sdelay $0x4  }
0x83: {  	[tilespmem:s3+$0xFFFFFFE0] =	vst v3  }
0x84: {  	v3 =	vld [tilespmem:s4+$0xFFFFFFF0];
	_ =	sdelay $0x7  }
0x85: {  	v3 =	vld.idx.msk [tilespmem:v3+s26+$0x0], $0xffff;
	_ =	sdelay $0x4  }
0x86: {  	[tilespmem:s3+$0xFFFFFFF0] =	vst v3  }
0x87: {  	v3 =	vld [tilespmem:s4+$0x0];
	_ =	sdelay $0x7  }
0x88: {  	v3 =	vld.idx.msk [tilespmem:v3+s26+$0x0], $0xffff;
	_ =	sdelay $0x4  }
0x89: {  	[tilespmem:s3+$0x0] =	vst v3  }
0x8a: {  	v3 =	vld [tilespmem:s4+$0x10];
	_ =	sdelay $0x7  }
0x8b: {  	v3 =	vld.idx.msk [tilespmem:v3+s26+$0x0], $0xffff;
	_ =	sdelay $0x4  }
0x8c: {  	[tilespmem:s3+$0x10] =	vst v3  }
0x8d: {  	v3 =	vld [tilespmem:s4+$0x20];
	_ =	sdelay $0x7  }
0x8e: {  	v3 =	vld.idx.msk [tilespmem:v3+s26+$0x0], $0xffff;
	_ =	sdelay $0x4  }
0x8f: {  	[tilespmem:s3+$0x20] =	vst v3  }
0x90: {  	v3 =	vld [tilespmem:s4+$0x30];
	_ =	sdelay $0x6  }
0x91: {  	s0 =	sadd.s32 $0x8, s0  }
0x92: {  	p0 =	slt.u32 s0, $0x78;
	v3 =	vld.idx.msk [tilespmem:v3+s26+$0x0], $0xffff  }
.Ltmp0:
0x93: {  	_ = 	snop;
	(pc) =	sbr.rel @p0 .LBB2_3-.Ltmp0, $2  }
0x94: {  	_ =	sdelay $0x2  }
0x95: {  	s4 =	sadd.s32 $0x80, s4;
	[tilespmem:s3+$0x30] =	vst v3;
	s3 =	sadd.s32 $0x80, s3  }
0x96: {  	s0 =	sshll.u32 s31, $0x8;
	s31 =	sadd.s32 $0x1, s31  }
0x97: {  	p0 =	sne.s32 s31, $0x40  }
.Ltmp1:
0x98: {  	_ = 	snop;
	(pc) =	sbr.rel @p0 .LBB2_2-.Ltmp1, $3  }
0x99: {  	_ =	sdelay $0x1  }
0x9a: {  	s0 =	sadd.s32 s0, s11  }
0x9b: {  	[hbm4b:s0+s5] =	stream.linear.scatter [tilespmem:s23], [sflag:$0x2], $0x800, $0x38;
	[tilespmem:$0x7800] =	vst v63  }
0x9c: {  	s30 =	sadd.s32 $0x1, s30  }
0x9d: {  	p0 =	sne.s32 s30, s12  }
.Ltmp2:
0x9e: {  	_ = 	snop;
	(pc) =	sbr.rel @p0 .LBB2_1-.Ltmp2, $4  }
0x9f: {  	_ = 	snop  }
0xa0: {  	_ =	swait.ge [sflag:s29], $0x800  }
0xa1: {  	[sflag:s29] =	ssyncset.done $0x0  }
0xa2: {  	[sflag:s29] =	ssyncadd.s32 $0xFFFFF800  }
0xa3: {  	_ =	sfence.sel $0x180000  }
0xa4: {  	[bflag:$0x0] =	sbarrier.arrive $0xFFFF  }
0xa5: {  	_ =	strace $0x90000047  }
0xa6: {  	s0 =	stileid.u32;
	[bflag:$0x2] =	sbarrier.arrive $0xFFFF  }
0xa7: {  	p0 =	sne.s32 s0, $0x0;
	s0 =	rddreg [dreg:$0x5]  }
0xa8: {  	s0 =	sadd.s32 @!p0 $0x100000, s0  }
0xa9: {  	[sflag:s0] =	ssyncadd.tile.s32 @!p0 $0x1;
	_ =	shalt  }
.Lfunc_end2:
_tile_overlayer_lowered:
.L_overlay_start_2:
0xaa: {  	(tag) =	ssettag $0x2  }
0xab: {  	s0 =	rddreg [dreg:$0x0];
	s2 =	stileid.u32  }
0xac: {  	s1 =	rddreg [dreg:$0x1];
	p0 =	sne.s32 s2, $0x0  }
0xad: {  	s3 =	rddreg [dreg:$0x2];
	[bflag:$0x3] =	sbarrier.arrive $0xFFFF;
	s2 =	simm.s32 @!p0 $0x1C04  }
0xae: {  	[timem:s3], [sflag:s2] =	dma.local @!p0 [hbm:s0], s1  }
0xaf: {  	s0 =	simm.s32 @!p0 $0x4  }
0xb0: {  	_ =	swait.ge @!p0 [sflag:s0], s1  }
0xb1: {  	s1 =	ssub.s32 @!p0 $0x0, s1;
	[sflag:s0] =	ssyncset.done @!p0 $0x0  }
0xb2: {  	[sflag:s0] =	ssyncadd.s32 @!p0 s1  }
0xb3: {  	[bflag:$0x3] =	sbarrier.arrive $0xFFFF  }
0xb4: {  	_ =	shalt  }

</sc_bundles>
